<compile_context>
chip_gen: v7x
topology: tpu7x:2x2x1
jax: 0.10.2.dev20260603
libtpu: 0.0.44.dev20260713+nightly
codegen_flags: <defaults>
</compile_context>

<pallas_src>
import jax
import jax.numpy as jnp
import numpy as np
from jax.experimental import pallas as pl

B, N, N1, N2, CGEO = 16, 4096, 512, 128, 256
R1, R2, KFP, MAXN1, MAXN2 = 0.2, 0.4, 3, 32, 64


def _bn_relu(x, g, b):
    xs = x.reshape(-1, x.shape[-1])
    mean = xs.mean(axis=0)
    var = xs.var(axis=0)
    y = (x - mean) / jnp.sqrt(var + 1e-5) * g + b
    return jnp.maximum(y, 0.0)


def _apply_mlp(x, layers):
    for (W, bb, gm, bt) in layers:
        x = _bn_relu(x @ W + bb, gm, bt)
    return x


def _batched_gather(x, idx):
    return jax.vmap(lambda xb, ib: xb[ib])(x, idx)


def _fps(pos, npoint):
    pos = jax.lax.stop_gradient(pos)
    Bb, Nn, _ = pos.shape

    def body(i, state):
        idxs, dists, far = state
        idxs = idxs.at[:, i].set(far)
        centroid = jnp.take_along_axis(pos, far[:, None, None].astype(jnp.int32), axis=1)
        d = jnp.sum((pos - centroid) ** 2, axis=-1)
        dists = jnp.minimum(dists, d)
        far = jnp.argmax(dists, axis=-1).astype(jnp.int32)
        return idxs, dists, far

    idxs = jnp.zeros((Bb, npoint), jnp.int32)
    dists = jnp.full((Bb, Nn), 1e10, jnp.float32)
    far = jnp.zeros((Bb,), jnp.int32)
    idxs, _, _ = jax.lax.fori_loop(0, npoint, body, (idxs, dists, far))
    return idxs


def _ball_query(pos_src, pos_q, r, nsample):
    ps = jax.lax.stop_gradient(pos_src)
    pq = jax.lax.stop_gradient(pos_q)
    d2 = jnp.sum((pq[:, :, None, :] - ps[:, None, :, :]) ** 2, axis=-1)
    Ns = pos_src.shape[1]
    ar = jnp.arange(Ns, dtype=jnp.int32)
    gidx = jnp.where(d2 <= r * r, ar[None, None, :], Ns)
    gidx = jnp.sort(gidx, axis=-1)[:, :, :nsample]
    first = gidx[:, :, :1]
    gidx = jnp.where(gidx == Ns, first, gidx)
    return gidx


def _knn_interpolate(x, pos_src, pos_tgt, k):
    d2 = jnp.sum((pos_tgt[:, :, None, :] - pos_src[:, None, :, :]) ** 2, axis=-1)
    negd, idx = jax.lax.top_k(-d2, k)
    w = 1.0 / jnp.maximum(-negd, 1e-16)
    xk = _batched_gather(x, idx)
    return jnp.sum(w[..., None] * xk, axis=2) / jnp.sum(w, axis=-1, keepdims=True)


def _identity_kernel(x_ref, o_ref):
    o_ref[...] = x_ref[...]


def _pallas_identity(x):
    return pl.pallas_call(
        _identity_kernel,
        grid=(x.shape[0],),
        in_specs=[pl.BlockSpec((1,) + x.shape[1:], lambda b: (b, 0, 0))],
        out_specs=pl.BlockSpec((1,) + x.shape[1:], lambda b: (b, 0, 0)),
        out_shape=jax.ShapeDtypeStruct(x.shape, x.dtype),
    )(x)


def kernel(pts, params):
    x0 = pts
    idx1 = _fps(pts, N1)
    pos1 = _batched_gather(pts, idx1)
    g1 = _ball_query(pts, pos1, R1, MAXN1)
    xj = _batched_gather(x0, g1)
    pj = _batched_gather(pts, g1)
    h = _apply_mlp(jnp.concatenate([xj, pj - pos1[:, :, None, :]], axis=-1), params['sa1_local'])
    x1 = _apply_mlp(jnp.max(h, axis=2), params['sa1_global'])
    idx2 = _fps(pos1, N2)
    pos2 = _batched_gather(pos1, idx2)
    g2 = _ball_query(pos1, pos2, R2, MAXN2)
    xj = _batched_gather(x1, g2)
    pj = _batched_gather(pos1, g2)
    h = _apply_mlp(jnp.concatenate([xj, pj - pos2[:, :, None, :]], axis=-1), params['sa2_local'])
    x2 = _apply_mlp(jnp.max(h, axis=2), params['sa2_global'])
    g = _apply_mlp(jnp.max(x2, axis=1), params['glob'])
    x1_up = _knn_interpolate(x2, pos2, pos1, KFP)
    x1_fp = _apply_mlp(jnp.concatenate([x1_up, x1], axis=-1), params['fp1'])
    x0_up = _knn_interpolate(x1_fp, pos1, pts, KFP)
    F = _apply_mlp(jnp.concatenate([x0_up, x0], axis=-1), params['fp0'])
    return (_pallas_identity(F), g)

# --- scband reference (transcript-rebuilt; emitter-appended) ---
"""Pipeline reference for scband-pn2-geometry-encoder-6734508720335 (READ-ONLY COPY).

The authoritative reference and input builder live on the scoring server;
editing this copy changes nothing except your own understanding.
"""

import jax, jax.numpy as jnp
import numpy as np

B, N, N1, N2, CGEO = 16, 4096, 512, 128, 256
R1, R2, KFP, MAXN1, MAXN2 = 0.2, 0.4, 3, 32, 64


def init_mlp(key, chs):
    layers = []
    for i in range(len(chs) - 1):
        key, k1 = jax.random.split(key)
        W = jax.random.normal(k1, (chs[i], chs[i + 1]), jnp.float32) * (1.0 / np.sqrt(chs[i]))
        b = jnp.zeros((chs[i + 1],), jnp.float32)
        g = jnp.ones((chs[i + 1],), jnp.float32)
        bt = jnp.zeros((chs[i + 1],), jnp.float32)
        layers.append((W, b, g, bt))
    return layers


def bn_relu(x, g, b):
    xs = x.reshape(-1, x.shape[-1])
    mean = xs.mean(axis=0)
    var = xs.var(axis=0)
    y = (x - mean) / jnp.sqrt(var + 1e-5) * g + b
    return jnp.maximum(y, 0.0)


def apply_mlp(x, layers):
    for (W, bb, gm, bt) in layers:
        x = bn_relu(x @ W + bb, gm, bt)
    return x


def batched_gather(x, idx):
    return jax.vmap(lambda xb, ib: xb[ib])(x, idx)


def fps(pos, npoint):
    pos = jax.lax.stop_gradient(pos)
    Bb, Nn, _ = pos.shape

    def body(i, state):
        idxs, dists, far = state
        idxs = idxs.at[:, i].set(far)
        centroid = jnp.take_along_axis(pos, far[:, None, None].astype(jnp.int32), axis=1)
        d = jnp.sum((pos - centroid) ** 2, axis=-1)
        dists = jnp.minimum(dists, d)
        far = jnp.argmax(dists, axis=-1).astype(jnp.int32)
        return idxs, dists, far

    idxs = jnp.zeros((Bb, npoint), jnp.int32)
    dists = jnp.full((Bb, Nn), 1e10, jnp.float32)
    far = jnp.zeros((Bb,), jnp.int32)
    idxs, _, _ = jax.lax.fori_loop(0, npoint, body, (idxs, dists, far))
    return idxs


def ball_query(pos_src, pos_q, r, nsample):
    ps = jax.lax.stop_gradient(pos_src)
    pq = jax.lax.stop_gradient(pos_q)
    d2 = jnp.sum((pq[:, :, None, :] - ps[:, None, :, :]) ** 2, axis=-1)
    Ns = pos_src.shape[1]
    ar = jnp.arange(Ns, dtype=jnp.int32)
    gidx = jnp.where(d2 <= r * r, ar[None, None, :], Ns)
    gidx = jnp.sort(gidx, axis=-1)[:, :, :nsample]
    first = gidx[:, :, :1]
    gidx = jnp.where(gidx == Ns, first, gidx)
    return gidx


def knn_interpolate(x, pos_src, pos_tgt, k):
    d2 = jnp.sum((pos_tgt[:, :, None, :] - pos_src[:, None, :, :]) ** 2, axis=-1)
    negd, idx = jax.lax.top_k(-d2, k)
    w = 1.0 / jnp.maximum(-negd, 1e-16)
    xk = batched_gather(x, idx)
    return jnp.sum(w[..., None] * xk, axis=2) / jnp.sum(w, axis=-1, keepdims=True)


def forward(pts, params):
    x0 = pts
    idx1 = fps(pts, N1)
    pos1 = batched_gather(pts, idx1)
    g1 = ball_query(pts, pos1, R1, MAXN1)
    xj = batched_gather(x0, g1)
    pj = batched_gather(pts, g1)
    h = apply_mlp(jnp.concatenate([xj, pj - pos1[:, :, None, :]], axis=-1), params['sa1_local'])
    x1 = apply_mlp(jnp.max(h, axis=2), params['sa1_global'])
    idx2 = fps(pos1, N2)
    pos2 = batched_gather(pos1, idx2)
    g2 = ball_query(pos1, pos2, R2, MAXN2)
    xj = batched_gather(x1, g2)
    pj = batched_gather(pos1, g2)
    h = apply_mlp(jnp.concatenate([xj, pj - pos2[:, :, None, :]], axis=-1), params['sa2_local'])
    x2 = apply_mlp(jnp.max(h, axis=2), params['sa2_global'])
    g = apply_mlp(jnp.max(x2, axis=1), params['glob'])
    x1_up = knn_interpolate(x2, pos2, pos1, KFP)
    x1_fp = apply_mlp(jnp.concatenate([x1_up, x1], axis=-1), params['fp1'])
    x0_up = knn_interpolate(x1_fp, pos1, pts, KFP)
    F = apply_mlp(jnp.concatenate([x0_up, x0], axis=-1), params['fp0'])
    return (F, g)


def setup_inputs(seed: int = 0):
    key = jax.random.key(seed)
    ks = jax.random.split(key, 8)
    pts = jax.random.uniform(ks[0], (B, N, 3), jnp.float32)
    params = {
        'sa1_local': init_mlp(ks[1], [6, 64, 64, 128]),
        'sa1_global': init_mlp(ks[2], [128, 256]),
        'sa2_local': init_mlp(ks[3], [259, 128, 128, 256]),
        'sa2_global': init_mlp(ks[4], [256, 256]),
        'glob': init_mlp(ks[5], [256, 512, CGEO]),
        'fp1': init_mlp(ks[6], [512, 256, 256]),
        'fp0': init_mlp(ks[7], [259, 256, CGEO]),
    }
    return {"pts": pts, "params": params}


def reference(pts, params):
    return forward(pts, params)

if __name__ == "__main__":
    import jax
    _d = setup_inputs()
    print(jax.jit(kernel)(*tuple(_d.values())))

</pallas_src>

<mosaic_0001>
module attributes {stable_mosaic.version = 14 : i64} {
  func.func @_identity_kernel(%arg0: i32, %arg1: memref<1x4096x256xf32, #tpu.memory_space<vmem>>, %arg2: memref<1x4096x256xf32, #tpu.memory_space<vmem>>) attributes {dimension_semantics = [#tpu.dimension_semantics<arbitrary>], iteration_bounds = array<i64: 16>, scalar_prefetch = 0 : i64, scratch_operands = 0 : i64, tpu.core_type = #tpu.core_type<tc>, window_params = [{transform_indices = @transform_0, window_bounds = array<i64: 1, 4096, 256>}, {transform_indices = @transform_1, window_bounds = array<i64: 1, 4096, 256>}]} {
    %get3A = arith.constant 0 : index
    %get3A_0 = arith.constant 0 : index
    %get3A_1 = arith.constant 0 : index
    %get3A_2 = vector.load %arg1[%get3A, %get3A_0, %get3A_1] : memref<1x4096x256xf32, #tpu.memory_space<vmem>>, vector<1x4096x256xf32>
    %swap3A = arith.constant 0 : index
    %swap3A_3 = arith.constant 0 : index
    %swap3A_4 = arith.constant 0 : index
    %swap3A_5 = vector.load %arg2[%swap3A, %swap3A_3, %swap3A_4] : memref<1x4096x256xf32, #tpu.memory_space<vmem>>, vector<1x4096x256xf32>
    tpu.vector_store %arg2[%swap3A, %swap3A_3, %swap3A_4], %get3A_2 {strides = array<i32>} : memref<1x4096x256xf32, #tpu.memory_space<vmem>>, vector<1x4096x256xf32>,
    return
  }
  func.func @transform_0(%arg0: i32) -> (i32, i32, i32) {
    %c0_i32 = arith.constant 0 : i32
    %c0_i32_0 = arith.constant 0 : i32
    %c0_i32_1 = arith.constant 0 : i32
    return %arg0, %c0_i32, %c0_i32_0 : i32, i32, i32
  }
  func.func @transform_1(%arg0: i32) -> (i32, i32, i32) {
    %c0_i32 = arith.constant 0 : i32
    %c0_i32_0 = arith.constant 0 : i32
    %c0_i32_1 = arith.constant 0 : i32
    return %arg0, %c0_i32, %c0_i32_0 : i32, i32, i32
  }
}

</mosaic_0001>

<sc_bundles>
// kernel: gather_offload_async_start.1
scs
__scs_entry_jumppad:
0x0: {  	(pc) =	sbr.rel $0x88, $3  }
0x1: {  	(tag) =	ssettag $0x0;
	lr =	simm.s32 $0x1  }
0x2: {  	[smem:$0x3F68] =	sst lr;
	_ =	strace $0xD0000000  }
0x3: {  	_ = 	snop  }
0x4: {  	_ = 	snop  }
0x5: {  	_ = 	snop  }
0x6: {  	_ = 	snop  }
0x7: {  	_ = 	snop  }
__scs_overlays_trampoline_lowered:
0x8: {  	[smem:$0x3F77] =	sst s0  }
0x9: {  	[smem:$0x3F78] =	sst s1  }
0xa: {  	[smem:$0x3F79] =	sst s2  }
0xb: {  	[smem:$0x3F7A] =	sst s3  }
0xc: {  	[smem:$0x3F7B] =	sst s4  }
0xd: {  	[smem:$0x3F7C] =	sst s5  }
0xe: {  	[smem:$0x3F7D] =	sst s6  }
0xf: {  	[smem:$0x3F7E] =	sst s7  }
0x10: {  	[smem:$0x3F7F] =	sst s8  }
0x11: {  	[smem:$0x3F80] =	sst s9;
	s0 =	simm.s32 @!p0 $0x0  }
0x12: {  	s1 =	sld [smem:$0x3F66];
	s0 =	simm.s32 @p0 $0x1  }
0x13: {  	[smem:$0x3F81] =	sst s0;
	s0 =	simm.s32 @!p1 $0x0  }
0x14: {  	s2 =	sld [smem:$0x3F65];
	s0 =	simm.s32 @p1 $0x1  }
0x15: {  	[smem:$0x3F82] =	sst s0;
	s0 =	simm.s32 @!p2 $0x0  }
0x16: {  	s3 =	sld [smem:$0x3FDB];
	s0 =	simm.s32 @p2 $0x1  }
0x17: {  	s4 =	simm.s32 $0x1BF5;
	[smem:$0x3F84] =	sst s0  }
0x18: {  	s0 =	sld [smem:$0x3F67];
	_ =	swait.ge [sflag:s4], $0x0  }
0x19: {  	s7 =	sld [smem:$0x3F68]  }
0x1a: {  	s8 =	sadd.s32 $0xFFFFE003, lr  }
0x1b: {  	s9 =	sadd.s32 $0xFFFFFEF7, lr;
	s5 =	simm.s32 $0xFFFFFFFF;
	p2 =	slt.u32 s8, $0xFFFFF086  }
0x1c: {  	p1 =	slt.u32 s9, $0xF7A;
	s5 =	simm.s32 @!p2 $0x0  }
0x1d: {  	s5 =	simm.s32 @p1 $0x1;
	p0 =	seq.s32 s7, s2  }
0x1e: {  	s7 =	smul.u32 @!p0 $0xF7A, s2;
	p2 =	seq.s32 @!p0 s5, $0x0  }
0x1f: {  	s9 =	smul.u32 $0xF7A, s1;
	s8 =	simm.s32 @!p0 $0x1BF5;
	p2 =	por !p2, p0  }
0x20: {  	[sflag:s8] =	ssyncset.s32 @!p0 $0xFFFFF086;
	s6 =	sadd.s32 @!p0 s3, s7;
	s7 =	simm.s32 @!p0 $0x108  }
0x21: {  	s3 =	sadd.s32 s3, s9;
	s6 =	sadd.s32 @!p0 $0x88, s6;
	s7 =	simm.s32 @p2 $0x1082  }
0x22: {  	[simem:s7], [sflag:s8] =	dma.local @!p0 [hbm:s6], $0xF7A  }
0x23: {  	s9 =	sor.u32 $0xD0000000, s2;
	s6 =	simm.s32 $0x108;
	_ =	swait.ge @!p0 [sflag:s8], $0x0  }
0x24: {  	s3 =	sadd.s32 $0x88, s3;
	s6 =	simm.s32 @!p1 $0x1082;
	[sflag:s4] =	ssyncset.s32 $0xFFFFF086  }
0x25: {  	[simem:s6], [sflag:s4] =	dma.local [hbm:s3], $0xF7A  }
0x26: {  	[smem:$0x3F68] =	sst s1;
	(tag) =	ssettag s2;
	_ =	strace s9  }
0x27: {  	s1 =	sld [smem:$0x3F78]  }
0x28: {  	s2 =	sld [smem:$0x3F79]  }
0x29: {  	s4 =	sld [smem:$0x3F7B]  }
0x2a: {  	p0 =	seq.s32 s5, $0x0;
	s5 =	sld [smem:$0x3F7C]  }
0x2b: {  	s6 =	sld [smem:$0x3F7D]  }
0x2c: {  	s7 =	sld [smem:$0x3F7E]  }
0x2d: {  	s3 =	simm.s32 $0x108;
	s8 =	sld [smem:$0x3F7F]  }
0x2e: {  	s3 =	simm.s32 @!p0 $0x1082;
	s9 =	sld [smem:$0x3F80]  }
0x2f: {  	lr =	sadd.s32 s0, s3;
	s0 =	sld [smem:$0x3F77]  }
0x30: {  	s3 =	sld [smem:$0x3F7A]  }
0x31: {  	[smem:$0x3F83] =	sst s10  }
0x32: {  	s10 =	sld [smem:$0x3F81];
	_ =	sdelay $0x3  }
0x33: {  	p0 =	seq.s32 s10, $0x1;
	s10 =	sld [smem:$0x3F83];
	_ =	sdelay $0x3  }
0x34: {  	[smem:$0x3F83] =	sst s10  }
0x35: {  	s10 =	sld [smem:$0x3F82];
	_ =	sdelay $0x3  }
0x36: {  	p1 =	seq.s32 s10, $0x1;
	s10 =	sld [smem:$0x3F83];
	_ =	sdelay $0x3  }
0x37: {  	[smem:$0x3F83] =	sst s10  }
0x38: {  	s10 =	sld [smem:$0x3F84]  }
0x39: {  	_ = 	snop;
	(pc) =	sbr.ind lr, $3  }
0x3a: {  	_ = 	snop  }
0x3b: {  	_ = 	snop  }
0x3c: {  	p2 =	seq.s32 s10, $0x1;
	s10 =	sld [smem:$0x3F83]  }
0x3d: {  	_ =	shalt  }
0x3e: {  	_ =	shalt  }
0x3f: {  	_ =	shalt  }
0x40: {  	_ =	shalt  }
0x41: {  	_ =	shalt  }
0x42: {  	_ =	shalt  }
0x43: {  	_ =	shalt  }
0x44: {  	_ =	shalt  }
0x45: {  	_ =	shalt  }
0x46: {  	_ =	shalt  }
0x47: {  	_ =	shalt  }
0x48: {  	_ =	shalt  }
0x49: {  	_ =	shalt  }
0x4a: {  	_ =	shalt  }
0x4b: {  	_ =	shalt  }
0x4c: {  	_ =	shalt  }
0x4d: {  	_ =	shalt  }
0x4e: {  	_ =	shalt  }
0x4f: {  	_ =	shalt  }
0x50: {  	_ =	shalt  }
0x51: {  	_ =	shalt  }
0x52: {  	_ =	shalt  }
0x53: {  	_ =	shalt  }
0x54: {  	_ =	shalt  }
0x55: {  	_ =	shalt  }
0x56: {  	_ =	shalt  }
0x57: {  	_ =	shalt  }
0x58: {  	_ =	shalt  }
0x59: {  	_ =	shalt  }
0x5a: {  	_ =	shalt  }
0x5b: {  	_ =	shalt  }
0x5c: {  	_ =	shalt  }
0x5d: {  	_ =	shalt  }
0x5e: {  	_ =	shalt  }
0x5f: {  	_ =	shalt  }
0x60: {  	_ =	shalt  }
0x61: {  	_ =	shalt  }
0x62: {  	_ =	shalt  }
0x63: {  	_ =	shalt  }
0x64: {  	_ =	shalt  }
0x65: {  	_ =	shalt  }
0x66: {  	_ =	shalt  }
0x67: {  	_ =	shalt  }
0x68: {  	_ =	shalt  }
0x69: {  	_ =	shalt  }
0x6a: {  	_ =	shalt  }
0x6b: {  	_ =	shalt  }
0x6c: {  	_ =	shalt  }
0x6d: {  	_ =	shalt  }
0x6e: {  	_ =	shalt  }
0x6f: {  	_ =	shalt  }
0x70: {  	_ =	shalt  }
0x71: {  	_ =	shalt  }
0x72: {  	_ =	shalt  }
0x73: {  	_ =	shalt  }
0x74: {  	_ =	shalt  }
0x75: {  	_ =	shalt  }
0x76: {  	_ =	shalt  }
0x77: {  	_ =	shalt  }
0x78: {  	_ =	shalt  }
0x79: {  	_ =	shalt  }
0x7a: {  	_ =	shalt  }
0x7b: {  	_ =	shalt  }
0x7c: {  	_ =	shalt  }
0x7d: {  	_ =	shalt  }
0x7e: {  	_ =	shalt  }
0x7f: {  	_ =	shalt  }
0x80: {  	_ =	shalt  }
0x81: {  	_ =	shalt  }
0x82: {  	_ =	shalt  }
0x83: {  	_ =	shalt  }
0x84: {  	_ =	shalt  }
0x85: {  	_ =	shalt  }
0x86: {  	_ =	shalt  }
0x87: {  	_ =	shalt  }
.Lfunc_end0:
.L_simem_size_0:
called_computation.5_lowered:
.L_overlay_start_0:
0x88: {  	s2 =	sld [smem:$0x3FD9]  }
0x89: {  	s3 =	sld [smem:$0x3FFE];
	_ =	sdelay $0x1  }
0x8a: {  	s1 =	srdreg.scid  }
0x8b: {  	s0 =	sand.u32 $0x1, s1  }
0x8c: {  	s14 =	sshll.u32 s0, $0xA;
	s2 =	sadd.s32 s3, s2  }
0x8d: {  	s2 =	sadd.s32 s2, s14  }
0x8e: {  	[smem:$0x3F8F] =	sst s2  }
0x8f: {  	_ = 	snop  }
0x90: {  	s2 =	sld [smem:$0x3FD0];
	_ =	sdelay $0x2  }
0x91: {  	s15 =	simm.s32 $0xC;
	s4 =	simm.s32 $0x10  }
0x92: {  	[smem:s4], [sflag:s15] =	dma.local [hbm:s2], $0x1  }
0x93: {  	_ =	swait.eq [sflag:s15], $0x1  }
0x94: {  	[sflag:s15] =	ssyncset.done $0x0  }
0x95: {  	s16 =	sld [smem:$0x10];
	[sflag:s15] =	ssyncadd.s32 $0xFFFFFFFF  }
0x96: {  	s17 =	sld [smem:$0x11];
	(tm) =	ssettm $0x1  }
0x97: {  	s18 =	sld [smem:$0x3FFB];
	_ =	sdelay $0x3  }
0x98: {  	_ =	strace s18  }
0x99: {  	s4 =	sld [smem:$0x3FFC];
	_ =	sdelay $0x3  }
0x9a: {  	_ =	strace s4  }
0x9b: {  	s4 =	sld [smem:$0x3FFD];
	_ =	sdelay $0x3  }
0x9c: {  	_ =	strace s4  }
0x9d: {  	_ =	strace $0x8FFFFFFF  }
0x9e: {  	s19 =	sld [smem:$0x3FDB];
	_ =	sdelay $0x1  }
0x9f: {  	s5 =	simm.s32 $_scs_section_size  }
0xa0: {  	s6 =	simm.s32 $_size__tile_overlayer_lowered;
	s7 =	simm.s32 $_tile_overlayer_lowered  }
0xa1: {  	s22 =	simm.s32 $0x1BFF;
	s21 =	sshll.u32 s7, $0x1;
	s4 =	sadd.s32 s5, s19  }
0xa2: {  	s8 =	simm.s32 $0x0;
	s20 =	sshll.u32 s6, $0x1;
	s6 =	sadd.s32 s21, s4  }
0xa3: {  	[timem:s8], [sflag:s22] =	dma.local [hbm:s6], s20  }
0xa4: {  	_ =	swait.ge [sflag:s22], s20  }
0xa5: {  	s5 =	ssub.s32 $0x0, s20;
	[sflag:s22] =	ssyncset.done $0x0  }
0xa6: {  	[sflag:s22] =	ssyncadd.s32 s5;
	_ =	sdelay $0x1  }
0xa7: {  	s23 =	simm.s32 $0x1B8B  }
0xa8: {  	_ =	swait.ge [sflag:s23], $0x1  }
0xa9: {  	[sflag:s23] =	ssyncset.done $0x0  }
0xaa: {  	s25 =	simm.s32 $0x1B8E;
	s24 =	sld [smem:$0x3FFE];
	[sflag:s23] =	ssyncadd.s32 $0xFFFFFFFF  }
0xab: {  	s26 =	simm.s32 $execute0_lowered;
	[smem:$0x3FD2] =	sst s25  }
0xac: {  	s6 =	sshll.u32 s26, $0x1;
	_ =	strace $0x80000049;
	[dreg:$0x1] =	wrdreg $0xFFFFFFFF  }
0xad: {  	s28 =	simm.s32 $_size_execute0_lowered;
	s4 =	sadd.s32 s4, s6;
	[dreg:$0x0] =	wrdreg $0x0  }
0xae: {  	s6 =	sshll.u32 s28, $0x1;
	[dreg:$0x2] =	wrdreg s4  }
0xaf: {  	[dreg:$0x3] =	wrdreg s6  }
0xb0: {  	[dreg:$0x4] =	wrdreg $0xC0  }
0xb1: {  	_ =	task [dreg:s8], $0x5FFFF  }
0xb2: {  	[dreg:$0x1] =	wrdreg $0xFFFFFFFF  }
0xb3: {  	[dreg:$0x0] =	wrdreg $0x60  }
0xb4: {  	[dreg:$0x2] =	wrdreg s24  }
0xb5: {  	[dreg:$0x3] =	wrdreg s17  }
0xb6: {  	[dreg:$0x4] =	wrdreg s16  }
0xb7: {  	[dreg:$0x5] =	wrdreg $0xB  }
0xb8: {  	_ =	task.clear_ibuf [dreg:s8], $0x6FFFF;
	_ =	strace $0x90000049  }
0xb9: {  	s29 =	simm.s32 $0xB;
	_ =	strace $0x8000004B  }
0xba: {  	_ =	swait.ge [sflag:s29], $0x1  }
0xbb: {  	[sflag:s29] =	ssyncadd.s32 $0xFFFFFFFF  }
0xbc: {  	_ =	strace $0x9000004B  }
0xbd: {  	_ =	sfence  }
0xbe: {  	s30 =	sld [smem:$0x0];
	_ =	sdelay $0x2  }
0xbf: {  	s31 =	sshll.u32 s1, $0xD;
	s1 =	sshrl.u32 s1, $0x2  }
0xc0: {  	s3 =	sand.u32 $0x4000, s31;
	s1 =	sadd.s32 s1, s30  }
0xc1: {  	s0 =	sor.u32 s3, s0;
	s1 =	sshll.u32 s1, $0x11  }
0xc2: {  	s0 =	sor.u32 s1, s0  }
0xc3: {  	s0 =	sadd.s32 $0x8F2B, s0  }
0xc4: {  	[sflag:s0] =	ssyncadd.remote.s32 $0x1  }
0xc5: {  	_ =	sfence.sel $0xFFFF  }
0xc6: {  	[dreg:$0x0] =	wrdreg $0xFFFFFFFF;
	(pc) =	sbr.abs _section_cstart, $3  }
0xc7: {  	[dreg:$0x1] =	wrdreg $0xFFFFFFFF  }
0xc8: {  	_ =	task.clear_ibuf [dreg:s8], $0x2FFFF;
	_ =	strace $0x9FFFFFFF  }
0xc9: {  	(tm) =	ssettm $0x7FFFFFFF  }
tec
execute0_lowered:
.L_overlay_start_1:
0x0: {  	(tag) =	ssettag $0x1  }
0x1: {  	s7 =	rddreg [dreg:$0x0]  }
0x2: {  	s2 =	rddreg [dreg:$0x1]  }
0x3: {  	s3 =	rddreg [dreg:$0x2]  }
0x4: {  	s0 =	rddreg [dreg:$0x3];
	s1 =	srdreg.scid;
	_ =	strace $0x8000004A  }
0x5: {  	s4 =	simm.s32 $0x1;
	s9 =	simm.s32 $0x3;
	s5 =	sshll.u32 s1, $0x4  }
.Ltmp0:
0x6: {  	s1 =	stileid.u32;
	s5 =	sand.u32 $0x10, s5;
	(pc) =	sbr.rel .LBB2_1-.Ltmp0, $4  }
0x7: {  	s12 =	simm.s32 $0x0;
	s10 =	simm.s32 $0x0;
	s6 =	sor.u32 s1, s5  }
0x8: {  	[sflag:s4] =	ssyncpa.u1 $0x0;
	s5 =	simm.s32 $0x2;
	s6 =	sshll.u32 s6, $0x6  }
0x9: {  	s7 =	sadd.s32 $0x100000, s7;
	[sflag:s5] =	ssyncpa.u1 $0x0;
	s8 =	sadd.s32 $0x40, s6  }
0xa: {  	vm0 =	vmmov $0xff;
	vm1 =	vcmask $0x3F20;
	[sflag:s9] =	ssyncpa.u1 $0x0;
	s9 =	simm.s32 $0x40;
	s11 =	smov.u32 s6  }
.LBB2_9:
0xb: {  	p0 =	seq.s32 s10, $0x2  }
.Ltmp1:
0xc: {  	_ = 	snop;
	(pc) =	sbr.rel @p0 .LBB2_11-.Ltmp1, $1  }
0xd: {  	_ =	sdelay $0x3  }
.LBB2_10:
0xe: {  	s12 =	sadd.s32 $0x40, s11  }
0xf: {  	s13 =	smov.u32 s6;
	p0 =	slt.s32 s12, s8  }
0x10: {  	s13 =	smov.u32 @p0 s12  }
0x11: {  	s10 =	sadd.s32 $0x1, s10;
	s12 =	smov.u32 s11;
	s11 =	smov.u32 s13  }
.LBB2_1:
0x12: {  	p0 =	sne.s32 s10, $0x0  }
.Ltmp2:
0x13: {  	_ = 	snop;
	(pc) =	sbr.rel @!p0 .LBB2_2-.Ltmp2, $1  }
0x14: {  	_ =	sdelay $0x3  }
0x15: {  	s13 =	sand.u32 $0x1, s10  }
0x16: {  	p0 =	seq.s32 s13, $0x0  }
.Ltmp3:
0x17: {  	_ = 	snop;
	(pc) =	sbr.rel @p0 .LBB2_9-.Ltmp3, $1  }
0x18: {  	_ =	sdelay $0x3  }
0x19: {  	_ =	swait.ge [sflag:s5], $0x40  }
0x1a: {  	[sflag:s5] =	ssyncset.done $0x0  }
0x1b: {  	s13 =	simm.s32 $0x0;
	[sflag:s5] =	ssyncadd.s32 $0xFFFFFFC0  }
0x1c: {  	v0 =	vld.msk [tilespmem:s13+$0x40 ss:$0x1], $0xffff;
	_ =	sdelay $0x4  }
0x1d: {  	v1 =	vshll.u32 v0, $0x3  }
0x1e: {  	vm2 =	veq.s32 v0, $0x80000000;
	v0 =	vshll.u32 v0, $0x10;
	v1 =	vand.u32 $0xFF80, v1  }
0x1f: {  	v0 =	vand.u32 $0xF0000, v0;
	v1 =	vsel vm2, $0xFFFFFF80, v1  }
0x20: {  	v0 =	vsel vm2, $0xFFFF0000, v0;
	v2 =	vand.u32 $0xFFFFFC00, v1  }
0x21: {  	v1 =	vand.u32 $0x380, v1;
	v0 =	vadd.s32 v0, v2  }
0x22: {  	v0 =	vor.u32 v1, v0  }
0x23: {  	v0 =	vshrl.u32 v0, $0x3;
	_ =	sdelay $0x3  }
0x24: {  	s13 =	simm.s32 $0x2080  }
0x25: {  	[tilespmem:s13], [sflag:$0x1] =	stream.indirect_vreg.gather [hbm:s7], $0x80, v0, vm0, $0x38;
	[tilespmem:$0x4080] =	vst v63  }
0x26: {  	s14 =	simm.s32 $0x2480;
	s31 =	simm.s32 $0x10  }
0x27: {  	[tilespmem:s14], [sflag:$0x1] =	stream.indirect_vreg.gather [hbm:s7], $0x80, v0, vm1, $0x38;
	[tilespmem:$0x4080] =	vst v63  }
0x28: {  	s14 =	simm.s32 $0x80;
	v0 =	vld.msk [tilespmem:s31+$0x40 ss:$0x1], $0xffff  }
.LBB2_5:
0x29: {  	p0 =	sne.s32 s14, $0xC0;
	_ =	sdelay $0x4  }
0x2a: {  	v1 =	vshll.u32 v0, $0x3  }
0x2b: {  	vm2 =	veq.s32 v0, $0x80000000;
	v0 =	vshll.u32 v0, $0x10;
	v1 =	vand.u32 $0xFF80, v1  }
0x2c: {  	v0 =	vand.u32 $0xF0000, v0;
	v1 =	vsel vm2, $0xFFFFFF80, v1  }
0x2d: {  	v0 =	vsel vm2, $0xFFFF0000, v0;
	v2 =	vand.u32 $0xFFFFFC00, v1  }
0x2e: {  	v1 =	vand.u32 $0x380, v1;
	v0 =	vadd.s32 v0, v2  }
0x2f: {  	v0 =	vor.u32 v1, v0  }
0x30: {  	v0 =	vshrl.u32 v0, $0x3;
	_ =	sdelay $0x3  }
.Ltmp4:
0x31: {  	s13 =	sadd.s32 $0x800, s13;
	(pc) =	sbr.rel @p0 .LBB2_5-.Ltmp4, $4  }
0x32: {  	[tilespmem:s13], [sflag:$0x1] =	stream.indirect_vreg.gather [hbm:s7], $0x80, v0, vm0, $0x38;
	[tilespmem:$0x4080] =	vst v63  }
0x33: {  	s15 =	sshra.s32 s14, $0x2;
	s16 =	sadd.s32 $0x400, s13  }
0x34: {  	[tilespmem:s16], [sflag:$0x1] =	stream.indirect_vreg.gather [hbm:s7], $0x80, v0, vm1, $0x38;
	[tilespmem:$0x4080] =	vst v63  }
0x35: {  	s14 =	sadd.s32 $0x40, s14;
	v0 =	vld.msk [tilespmem:s15+$0x40 ss:$0x1], $0xffff  }
0x36: {  	_ =	sdelay $0x3  }
0x37: {  	v1 =	vshll.u32 v0, $0x3  }
0x38: {  	vm2 =	veq.s32 v0, $0x80000000;
	v63 =	vshll.u32 v0, $0x10;
	v1 =	vand.u32 $0xFF80, v1  }
0x39: {  	v0 =	vand.u32 $0xF0000, v63;
	v1 =	vsel vm2, $0xFFFFFF80, v1  }
0x3a: {  	v0 =	vsel vm2, $0xFFFF0000, v0;
	v2 =	vand.u32 $0xFFFFFC00, v1  }
0x3b: {  	v1 =	vand.u32 $0x380, v1;
	v0 =	vadd.s32 v0, v2  }
0x3c: {  	v0 =	vor.u32 v1, v0  }
0x3d: {  	v0 =	vshrl.u32 v0, $0x3;
	_ =	sdelay $0x3  }
0x3e: {  	s13 =	sadd.s32 $0x800, s13  }
0x3f: {  	[tilespmem:s13], [sflag:$0x1] =	stream.indirect_vreg.gather [hbm:s7], $0x80, v0, vm0, $0x38;
	[tilespmem:$0x4080] =	vst v63  }
0x40: {  	s13 =	sadd.s32 $0x400, s13  }
0x41: {  	[tilespmem:s13], [sflag:$0x1] =	stream.indirect_vreg.gather [hbm:s7], $0x80, v0, vm1, $0x38;
	[tilespmem:$0x4080] =	vst v63  }
0x42: {  	s12 =	sshll.u32 s12, $0x4;
	s14 =	simm.s32 $0x80;
	_ =	swait.ge [sflag:s4], $0x2000  }
0x43: {  	s15 =	simm.s32 $0x2480;
	s12 =	sadd.s32 s12, s3;
	[sflag:s4] =	ssyncset.done $0x0  }
0x44: {  	s16 =	sadd.s32 $0x0, s12;
	s13 =	simm.s32 $0x2080;
	[sflag:s4] =	ssyncadd.s32 $0xFFFFE000  }
.LBB2_7:
0x45: {  	[hbm:s16] =	stream.linear.scatter [tilespmem:s13], [sflag:$0x3], $0x400, $0x38;
	[tilespmem:$0x4080] =	vst v63  }
0x46: {  	s16 =	smov.u32 s14;
	s13 =	smov.u32 s15;
	p0 =	sne.s32 s14, $0x380  }
.Ltmp5:
0x47: {  	s14 =	sadd.s32 $0x80, s14;
	(pc) =	sbr.rel @p0 .LBB2_7-.Ltmp5, $2  }
0x48: {  	_ =	sdelay $0x2  }
0x49: {  	s15 =	sadd.s32 $0x400, s15;
	s16 =	sadd.s32 s16, s12  }
.Ltmp6:
0x4a: {  	(pc) =	sbr.rel .LBB2_9-.Ltmp6, $2  }
0x4b: {  	_ =	sdelay $0x2  }
0x4c: {  	[hbm:s16] =	stream.linear.scatter [tilespmem:s13], [sflag:$0x3], $0x400, $0x38;
	[tilespmem:$0x4080] =	vst v63  }
.LBB2_2:
.Ltmp7:
0x4d: {  	(pc) =	sbr.rel .LBB2_10-.Ltmp7, $4  }
0x4e: {  	_ = 	snop  }
0x4f: {  	s12 =	sshrl.u32 s11, $0x3  }
0x50: {  	s13 =	sand.u32 $0x7, s11;
	s12 =	sadd.s32 s2, s12  }
0x51: {  	[tilespmem:s9], [sflag:$0x2] =	stream.linear.gather [hbm4b:s12+s13], $0x40, $0x38;
	[tilespmem:$0x4080] =	vst v63  }
.LBB2_11:
0x52: {  	s2 =	simm.s32 $0x3  }
0x53: {  	_ =	swait.ge [sflag:s2], $0x2000  }
0x54: {  	[sflag:s2] =	ssyncset.done $0x0  }
0x55: {  	[sflag:s2] =	ssyncadd.s32 $0xFFFFE000  }
0x56: {  	_ =	sfence.sel $0x180000  }
0x57: {  	s3 =	simm.s32 $0x2;
	[bflag:$0x0] =	sbarrier.arrive $0xFFFF  }
0x58: {  	[sflag:s3] =	ssyncpa.u1 $0x1  }
0x59: {  	s31 =	simm.s32 $0x1;
	[sflag:s2] =	ssyncpa.u1 $0x1  }
0x5a: {  	[sflag:s31] =	ssyncpa.u1 $0x1  }
0x5b: {  	p0 =	sne.s32 s1, $0x0;
	_ =	strace $0x9000004A  }
0x5c: {  	s0 =	sadd.s32 @!p0 $0x100000, s0;
	[bflag:$0x2] =	sbarrier.arrive $0xFFFF  }
0x5d: {  	[sflag:s0] =	ssyncadd.tile.s32 @!p0 $0x1;
	_ =	shalt  }
.Lfunc_end2:
_tile_overlayer_lowered:
.L_overlay_start_2:
0x5e: {  	(tag) =	ssettag $0x2  }
0x5f: {  	s0 =	rddreg [dreg:$0x0];
	s2 =	stileid.u32  }
0x60: {  	s1 =	rddreg [dreg:$0x1];
	p0 =	sne.s32 s2, $0x0  }
0x61: {  	s3 =	rddreg [dreg:$0x2];
	[bflag:$0x3] =	sbarrier.arrive $0xFFFF;
	s2 =	simm.s32 @!p0 $0x1C01  }
0x62: {  	[timem:s3], [sflag:s2] =	dma.local @!p0 [hbm:s0], s1  }
0x63: {  	s0 =	simm.s32 @!p0 $0x1  }
0x64: {  	_ =	swait.ge @!p0 [sflag:s0], s1  }
0x65: {  	s1 =	ssub.s32 @!p0 $0x0, s1;
	[sflag:s0] =	ssyncset.done @!p0 $0x0  }
0x66: {  	[sflag:s0] =	ssyncadd.s32 @!p0 s1  }
0x67: {  	[bflag:$0x3] =	sbarrier.arrive $0xFFFF  }
0x68: {  	_ =	shalt  }

// kernel: gather_offload_async_start
scs
__scs_entry_jumppad:
0x0: {  	(pc) =	sbr.rel $0x88, $3  }
0x1: {  	(tag) =	ssettag $0x0;
	lr =	simm.s32 $0x1  }
0x2: {  	[smem:$0x3F68] =	sst lr;
	_ =	strace $0xD0000000  }
0x3: {  	_ = 	snop  }
0x4: {  	_ = 	snop  }
0x5: {  	_ = 	snop  }
0x6: {  	_ = 	snop  }
0x7: {  	_ = 	snop  }
__scs_overlays_trampoline_lowered:
0x8: {  	[smem:$0x3F77] =	sst s0  }
0x9: {  	[smem:$0x3F78] =	sst s1  }
0xa: {  	[smem:$0x3F79] =	sst s2  }
0xb: {  	[smem:$0x3F7A] =	sst s3  }
0xc: {  	[smem:$0x3F7B] =	sst s4  }
0xd: {  	[smem:$0x3F7C] =	sst s5  }
0xe: {  	[smem:$0x3F7D] =	sst s6  }
0xf: {  	[smem:$0x3F7E] =	sst s7  }
0x10: {  	[smem:$0x3F7F] =	sst s8  }
0x11: {  	[smem:$0x3F80] =	sst s9;
	s0 =	simm.s32 @!p0 $0x0  }
0x12: {  	s1 =	sld [smem:$0x3F66];
	s0 =	simm.s32 @p0 $0x1  }
0x13: {  	[smem:$0x3F81] =	sst s0;
	s0 =	simm.s32 @!p1 $0x0  }
0x14: {  	s2 =	sld [smem:$0x3F65];
	s0 =	simm.s32 @p1 $0x1  }
0x15: {  	[smem:$0x3F82] =	sst s0;
	s0 =	simm.s32 @!p2 $0x0  }
0x16: {  	s3 =	sld [smem:$0x3FDB];
	s0 =	simm.s32 @p2 $0x1  }
0x17: {  	s4 =	simm.s32 $0x1BF5;
	[smem:$0x3F84] =	sst s0  }
0x18: {  	s0 =	sld [smem:$0x3F67];
	_ =	swait.ge [sflag:s4], $0x0  }
0x19: {  	s7 =	sld [smem:$0x3F68]  }
0x1a: {  	s8 =	sadd.s32 $0xFFFFE003, lr  }
0x1b: {  	s9 =	sadd.s32 $0xFFFFFEF7, lr;
	s5 =	simm.s32 $0xFFFFFFFF;
	p2 =	slt.u32 s8, $0xFFFFF086  }
0x1c: {  	p1 =	slt.u32 s9, $0xF7A;
	s5 =	simm.s32 @!p2 $0x0  }
0x1d: {  	s5 =	simm.s32 @p1 $0x1;
	p0 =	seq.s32 s7, s2  }
0x1e: {  	s7 =	smul.u32 @!p0 $0xF7A, s2;
	p2 =	seq.s32 @!p0 s5, $0x0  }
0x1f: {  	s9 =	smul.u32 $0xF7A, s1;
	s8 =	simm.s32 @!p0 $0x1BF5;
	p2 =	por !p2, p0  }
0x20: {  	[sflag:s8] =	ssyncset.s32 @!p0 $0xFFFFF086;
	s6 =	sadd.s32 @!p0 s3, s7;
	s7 =	simm.s32 @!p0 $0x108  }
0x21: {  	s3 =	sadd.s32 s3, s9;
	s6 =	sadd.s32 @!p0 $0x88, s6;
	s7 =	simm.s32 @p2 $0x1082  }
0x22: {  	[simem:s7], [sflag:s8] =	dma.local @!p0 [hbm:s6], $0xF7A  }
0x23: {  	s9 =	sor.u32 $0xD0000000, s2;
	s6 =	simm.s32 $0x108;
	_ =	swait.ge @!p0 [sflag:s8], $0x0  }
0x24: {  	s3 =	sadd.s32 $0x88, s3;
	s6 =	simm.s32 @!p1 $0x1082;
	[sflag:s4] =	ssyncset.s32 $0xFFFFF086  }
0x25: {  	[simem:s6], [sflag:s4] =	dma.local [hbm:s3], $0xF7A  }
0x26: {  	[smem:$0x3F68] =	sst s1;
	(tag) =	ssettag s2;
	_ =	strace s9  }
0x27: {  	s1 =	sld [smem:$0x3F78]  }
0x28: {  	s2 =	sld [smem:$0x3F79]  }
0x29: {  	s4 =	sld [smem:$0x3F7B]  }
0x2a: {  	p0 =	seq.s32 s5, $0x0;
	s5 =	sld [smem:$0x3F7C]  }
0x2b: {  	s6 =	sld [smem:$0x3F7D]  }
0x2c: {  	s7 =	sld [smem:$0x3F7E]  }
0x2d: {  	s3 =	simm.s32 $0x108;
	s8 =	sld [smem:$0x3F7F]  }
0x2e: {  	s3 =	simm.s32 @!p0 $0x1082;
	s9 =	sld [smem:$0x3F80]  }
0x2f: {  	lr =	sadd.s32 s0, s3;
	s0 =	sld [smem:$0x3F77]  }
0x30: {  	s3 =	sld [smem:$0x3F7A]  }
0x31: {  	[smem:$0x3F83] =	sst s10  }
0x32: {  	s10 =	sld [smem:$0x3F81];
	_ =	sdelay $0x3  }
0x33: {  	p0 =	seq.s32 s10, $0x1;
	s10 =	sld [smem:$0x3F83];
	_ =	sdelay $0x3  }
0x34: {  	[smem:$0x3F83] =	sst s10  }
0x35: {  	s10 =	sld [smem:$0x3F82];
	_ =	sdelay $0x3  }
0x36: {  	p1 =	seq.s32 s10, $0x1;
	s10 =	sld [smem:$0x3F83];
	_ =	sdelay $0x3  }
0x37: {  	[smem:$0x3F83] =	sst s10  }
0x38: {  	s10 =	sld [smem:$0x3F84]  }
0x39: {  	_ = 	snop;
	(pc) =	sbr.ind lr, $3  }
0x3a: {  	_ = 	snop  }
0x3b: {  	_ = 	snop  }
0x3c: {  	p2 =	seq.s32 s10, $0x1;
	s10 =	sld [smem:$0x3F83]  }
0x3d: {  	_ =	shalt  }
0x3e: {  	_ =	shalt  }
0x3f: {  	_ =	shalt  }
0x40: {  	_ =	shalt  }
0x41: {  	_ =	shalt  }
0x42: {  	_ =	shalt  }
0x43: {  	_ =	shalt  }
0x44: {  	_ =	shalt  }
0x45: {  	_ =	shalt  }
0x46: {  	_ =	shalt  }
0x47: {  	_ =	shalt  }
0x48: {  	_ =	shalt  }
0x49: {  	_ =	shalt  }
0x4a: {  	_ =	shalt  }
0x4b: {  	_ =	shalt  }
0x4c: {  	_ =	shalt  }
0x4d: {  	_ =	shalt  }
0x4e: {  	_ =	shalt  }
0x4f: {  	_ =	shalt  }
0x50: {  	_ =	shalt  }
0x51: {  	_ =	shalt  }
0x52: {  	_ =	shalt  }
0x53: {  	_ =	shalt  }
0x54: {  	_ =	shalt  }
0x55: {  	_ =	shalt  }
0x56: {  	_ =	shalt  }
0x57: {  	_ =	shalt  }
0x58: {  	_ =	shalt  }
0x59: {  	_ =	shalt  }
0x5a: {  	_ =	shalt  }
0x5b: {  	_ =	shalt  }
0x5c: {  	_ =	shalt  }
0x5d: {  	_ =	shalt  }
0x5e: {  	_ =	shalt  }
0x5f: {  	_ =	shalt  }
0x60: {  	_ =	shalt  }
0x61: {  	_ =	shalt  }
0x62: {  	_ =	shalt  }
0x63: {  	_ =	shalt  }
0x64: {  	_ =	shalt  }
0x65: {  	_ =	shalt  }
0x66: {  	_ =	shalt  }
0x67: {  	_ =	shalt  }
0x68: {  	_ =	shalt  }
0x69: {  	_ =	shalt  }
0x6a: {  	_ =	shalt  }
0x6b: {  	_ =	shalt  }
0x6c: {  	_ =	shalt  }
0x6d: {  	_ =	shalt  }
0x6e: {  	_ =	shalt  }
0x6f: {  	_ =	shalt  }
0x70: {  	_ =	shalt  }
0x71: {  	_ =	shalt  }
0x72: {  	_ =	shalt  }
0x73: {  	_ =	shalt  }
0x74: {  	_ =	shalt  }
0x75: {  	_ =	shalt  }
0x76: {  	_ =	shalt  }
0x77: {  	_ =	shalt  }
0x78: {  	_ =	shalt  }
0x79: {  	_ =	shalt  }
0x7a: {  	_ =	shalt  }
0x7b: {  	_ =	shalt  }
0x7c: {  	_ =	shalt  }
0x7d: {  	_ =	shalt  }
0x7e: {  	_ =	shalt  }
0x7f: {  	_ =	shalt  }
0x80: {  	_ =	shalt  }
0x81: {  	_ =	shalt  }
0x82: {  	_ =	shalt  }
0x83: {  	_ =	shalt  }
0x84: {  	_ =	shalt  }
0x85: {  	_ =	shalt  }
0x86: {  	_ =	shalt  }
0x87: {  	_ =	shalt  }
.Lfunc_end0:
.L_simem_size_0:
called_computation.4_lowered:
.L_overlay_start_0:
0x88: {  	s2 =	sld [smem:$0x3FD9]  }
0x89: {  	s3 =	sld [smem:$0x3FFE];
	_ =	sdelay $0x1  }
0x8a: {  	s1 =	srdreg.scid  }
0x8b: {  	s0 =	sand.u32 $0x1, s1  }
0x8c: {  	s14 =	sshll.u32 s0, $0xA;
	s2 =	sadd.s32 s3, s2  }
0x8d: {  	s2 =	sadd.s32 s2, s14  }
0x8e: {  	[smem:$0x3F8F] =	sst s2  }
0x8f: {  	_ = 	snop  }
0x90: {  	s2 =	sld [smem:$0x3FD0];
	_ =	sdelay $0x2  }
0x91: {  	s15 =	simm.s32 $0xC;
	s4 =	simm.s32 $0x10  }
0x92: {  	[smem:s4], [sflag:s15] =	dma.local [hbm:s2], $0x1  }
0x93: {  	_ =	swait.eq [sflag:s15], $0x1  }
0x94: {  	[sflag:s15] =	ssyncset.done $0x0  }
0x95: {  	[sflag:s15] =	ssyncadd.s32 $0xFFFFFFFF  }
0x96: {  	s16 =	sld [smem:$0x10];
	(tm) =	ssettm $0x1  }
0x97: {  	s17 =	sld [smem:$0x3FFB];
	_ =	sdelay $0x3  }
0x98: {  	_ =	strace s17  }
0x99: {  	s3 =	sld [smem:$0x3FFC];
	_ =	sdelay $0x3  }
0x9a: {  	_ =	strace s3  }
0x9b: {  	s3 =	sld [smem:$0x3FFD];
	_ =	sdelay $0x3  }
0x9c: {  	_ =	strace s3  }
0x9d: {  	_ =	strace $0x8FFFFFFF  }
0x9e: {  	s18 =	sld [smem:$0x3FDB];
	_ =	sdelay $0x1  }
0x9f: {  	s19 =	simm.s32 $_scs_section_size  }
0xa0: {  	s5 =	simm.s32 $_size__tile_overlayer_lowered;
	s6 =	simm.s32 $_tile_overlayer_lowered  }
0xa1: {  	s22 =	simm.s32 $0x1BFF;
	s21 =	sshll.u32 s6, $0x1;
	s3 =	sadd.s32 s19, s18  }
0xa2: {  	s7 =	simm.s32 $0x0;
	s20 =	sshll.u32 s5, $0x1;
	s5 =	sadd.s32 s21, s3  }
0xa3: {  	[timem:s7], [sflag:s22] =	dma.local [hbm:s5], s20  }
0xa4: {  	_ =	swait.ge [sflag:s22], s20  }
0xa5: {  	s4 =	ssub.s32 $0x0, s20;
	[sflag:s22] =	ssyncset.done $0x0  }
0xa6: {  	[sflag:s22] =	ssyncadd.s32 s4;
	_ =	sdelay $0x1  }
0xa7: {  	s23 =	simm.s32 $0x1B8B  }
0xa8: {  	_ =	swait.ge [sflag:s23], $0x1  }
0xa9: {  	[sflag:s23] =	ssyncset.done $0x0  }
0xaa: {  	s25 =	simm.s32 $0x1B8E;
	s24 =	sld [smem:$0x3FFE];
	[sflag:s23] =	ssyncadd.s32 $0xFFFFFFFF  }
0xab: {  	s26 =	simm.s32 $execute0_lowered;
	[smem:$0x3FD2] =	sst s25  }
0xac: {  	s5 =	sshll.u32 s26, $0x1;
	_ =	strace $0x80000046;
	[dreg:$0x1] =	wrdreg $0xFFFFFFFF  }
0xad: {  	s28 =	simm.s32 $_size_execute0_lowered;
	s3 =	sadd.s32 s3, s5;
	[dreg:$0x0] =	wrdreg $0x0  }
0xae: {  	s5 =	sshll.u32 s28, $0x1;
	[dreg:$0x2] =	wrdreg s3  }
0xaf: {  	[dreg:$0x3] =	wrdreg s5  }
0xb0: {  	[dreg:$0x4] =	wrdreg $0xC0  }
0xb1: {  	_ =	task [dreg:s7], $0x5FFFF  }
0xb2: {  	[dreg:$0x1] =	wrdreg $0xFFFFFFFF  }
0xb3: {  	[dreg:$0x0] =	wrdreg $0x60  }
0xb4: {  	[dreg:$0x2] =	wrdreg s24  }
0xb5: {  	[dreg:$0x3] =	wrdreg s16  }
0xb6: {  	[dreg:$0x4] =	wrdreg $0x9  }
0xb7: {  	_ =	task.clear_ibuf [dreg:s7], $0x5FFFF;
	_ =	strace $0x90000046  }
0xb8: {  	s29 =	simm.s32 $0x9;
	_ =	strace $0x80000048  }
0xb9: {  	_ =	swait.ge [sflag:s29], $0x1  }
0xba: {  	[sflag:s29] =	ssyncadd.s32 $0xFFFFFFFF  }
0xbb: {  	_ =	strace $0x90000048  }
0xbc: {  	_ =	sfence  }
0xbd: {  	s30 =	sld [smem:$0x0];
	_ =	sdelay $0x2  }
0xbe: {  	s31 =	sshll.u32 s1, $0xD;
	s1 =	sshrl.u32 s1, $0x2  }
0xbf: {  	s3 =	sand.u32 $0x4000, s31;
	s1 =	sadd.s32 s1, s30  }
0xc0: {  	s0 =	sor.u32 s3, s0;
	s1 =	sshll.u32 s1, $0x11  }
0xc1: {  	s0 =	sor.u32 s1, s0  }
0xc2: {  	s0 =	sadd.s32 $0x8F2B, s0  }
0xc3: {  	[sflag:s0] =	ssyncadd.remote.s32 $0x1  }
0xc4: {  	_ =	sfence.sel $0xFFFF  }
0xc5: {  	[dreg:$0x0] =	wrdreg $0xFFFFFFFF;
	(pc) =	sbr.abs _section_cstart, $3  }
0xc6: {  	[dreg:$0x1] =	wrdreg $0xFFFFFFFF  }
0xc7: {  	_ =	task.clear_ibuf [dreg:s7], $0x2FFFF;
	_ =	strace $0x9FFFFFFF  }
0xc8: {  	(tm) =	ssettm $0x7FFFFFFF  }
0xc9: {  	_ =	shalt  }
tec
execute0_lowered:
.L_overlay_start_1:
0x0: {  	(tag) =	ssettag $0x1  }
0x1: {  	s2 =	rddreg [dreg:$0x0]  }
0x2: {  	s3 =	rddreg [dreg:$0x1]  }
0x3: {  	s0 =	rddreg [dreg:$0x2];
	s1 =	srdreg.scid;
	_ =	strace $0x80000047  }
0x4: {  	s4 =	simm.s32 $0x1;
	s9 =	simm.s32 $0x3;
	s5 =	sshll.u32 s1, $0x4  }
.Ltmp0:
0x5: {  	s1 =	stileid.u32;
	s5 =	sand.u32 $0x10, s5;
	(pc) =	sbr.rel .LBB2_1-.Ltmp0, $4  }
0x6: {  	s12 =	simm.s32 $0x0;
	s10 =	simm.s32 $0x0;
	s6 =	sor.u32 s1, s5  }
0x7: {  	[sflag:s4] =	ssyncpa.u1 $0x0;
	s5 =	simm.s32 $0x2;
	s6 =	sshll.u32 s6, $0x8  }
0x8: {  	s7 =	sadd.s32 $0x100000, s2;
	[sflag:s5] =	ssyncpa.u1 $0x0;
	s8 =	sadd.s32 $0x100, s6  }
0x9: {  	vm0 =	vmmov $0xff;
	vm1 =	vcmask $0x3F20;
	[sflag:s9] =	ssyncpa.u1 $0x0;
	s9 =	simm.s32 $0x100;
	s11 =	smov.u32 s6  }
.LBB2_9:
0xa: {  	p0 =	seq.s32 s10, $0x2  }
.Ltmp1:
0xb: {  	_ = 	snop;
	(pc) =	sbr.rel @p0 .LBB2_11-.Ltmp1, $1  }
0xc: {  	_ =	sdelay $0x3  }
.LBB2_10:
0xd: {  	s12 =	sadd.s32 $0x100, s11  }
0xe: {  	s13 =	smov.u32 s6;
	p0 =	slt.s32 s12, s8  }
0xf: {  	s13 =	smov.u32 @p0 s12  }
0x10: {  	s10 =	sadd.s32 $0x1, s10;
	s12 =	smov.u32 s11;
	s11 =	smov.u32 s13  }
.LBB2_1:
0x11: {  	p0 =	sne.s32 s10, $0x0  }
.Ltmp2:
0x12: {  	_ = 	snop;
	(pc) =	sbr.rel @!p0 .LBB2_2-.Ltmp2, $1  }
0x13: {  	_ =	sdelay $0x3  }
0x14: {  	s13 =	sand.u32 $0x1, s10  }
0x15: {  	p0 =	seq.s32 s13, $0x0  }
.Ltmp3:
0x16: {  	_ = 	snop;
	(pc) =	sbr.rel @p0 .LBB2_9-.Ltmp3, $1  }
0x17: {  	_ =	sdelay $0x3  }
0x18: {  	_ =	swait.ge [sflag:s5], $0x100  }
0x19: {  	[sflag:s5] =	ssyncset.done $0x0  }
0x1a: {  	s13 =	simm.s32 $0x0;
	[sflag:s5] =	ssyncadd.s32 $0xFFFFFF00  }
0x1b: {  	v0 =	vld.msk [tilespmem:s13+$0x100 ss:$0x1], $0xffff;
	_ =	sdelay $0x4  }
0x1c: {  	v1 =	vshll.u32 v0, $0x3  }
0x1d: {  	vm2 =	veq.s32 v0, $0x80000000;
	v0 =	vshll.u32 v0, $0x13;
	v1 =	vand.u32 $0x7FF80, v1  }
0x1e: {  	v0 =	vand.u32 $0x780000, v0;
	v1 =	vsel vm2, $0xFFFFFF80, v1  }
0x1f: {  	v0 =	vsel vm2, $0xFFF80000, v0;
	v2 =	vand.u32 $0xFFFFFC00, v1  }
0x20: {  	v1 =	vand.u32 $0x380, v1;
	v0 =	vadd.s32 v0, v2  }
0x21: {  	v0 =	vor.u32 v1, v0  }
0x22: {  	v0 =	vshrl.u32 v0, $0x3;
	_ =	sdelay $0x3  }
0x23: {  	s13 =	simm.s32 $0x8200  }
0x24: {  	[tilespmem:s13], [sflag:$0x1] =	stream.indirect_vreg.gather [hbm:s2], $0x80, v0, vm0, $0x38;
	[tilespmem:$0x10200] =	vst v63  }
0x25: {  	s14 =	simm.s32 $0x8600;
	s31 =	simm.s32 $0x10  }
0x26: {  	[tilespmem:s14], [sflag:$0x1] =	stream.indirect_vreg.gather [hbm:s2], $0x80, v0, vm1, $0x38;
	[tilespmem:$0x10200] =	vst v63  }
0x27: {  	s14 =	simm.s32 $0x80;
	v0 =	vld.msk [tilespmem:s31+$0x100 ss:$0x1], $0xffff  }
.LBB2_5:
0x28: {  	p0 =	sne.s32 s14, $0x3C0;
	_ =	sdelay $0x4  }
0x29: {  	v1 =	vshll.u32 v0, $0x3  }
0x2a: {  	vm2 =	veq.s32 v0, $0x80000000;
	v0 =	vshll.u32 v0, $0x13;
	v1 =	vand.u32 $0x7FF80, v1  }
0x2b: {  	v0 =	vand.u32 $0x780000, v0;
	v1 =	vsel vm2, $0xFFFFFF80, v1  }
0x2c: {  	v0 =	vsel vm2, $0xFFF80000, v0;
	v2 =	vand.u32 $0xFFFFFC00, v1  }
0x2d: {  	v1 =	vand.u32 $0x380, v1;
	v0 =	vadd.s32 v0, v2  }
0x2e: {  	v0 =	vor.u32 v1, v0  }
0x2f: {  	v0 =	vshrl.u32 v0, $0x3;
	_ =	sdelay $0x3  }
.Ltmp4:
0x30: {  	s13 =	sadd.s32 $0x800, s13;
	(pc) =	sbr.rel @p0 .LBB2_5-.Ltmp4, $4  }
0x31: {  	[tilespmem:s13], [sflag:$0x1] =	stream.indirect_vreg.gather [hbm:s2], $0x80, v0, vm0, $0x38;
	[tilespmem:$0x10200] =	vst v63  }
0x32: {  	s15 =	sshra.s32 s14, $0x2;
	s16 =	sadd.s32 $0x400, s13  }
0x33: {  	[tilespmem:s16], [sflag:$0x1] =	stream.indirect_vreg.gather [hbm:s2], $0x80, v0, vm1, $0x38;
	[tilespmem:$0x10200] =	vst v63  }
0x34: {  	s14 =	sadd.s32 $0x40, s14;
	v0 =	vld.msk [tilespmem:s15+$0x100 ss:$0x1], $0xffff  }
0x35: {  	_ =	sdelay $0x3  }
0x36: {  	v1 =	vshll.u32 v0, $0x3  }
0x37: {  	vm2 =	veq.s32 v0, $0x80000000;
	v63 =	vshll.u32 v0, $0x13;
	v1 =	vand.u32 $0x7FF80, v1  }
0x38: {  	v0 =	vand.u32 $0x780000, v63;
	v1 =	vsel vm2, $0xFFFFFF80, v1  }
0x39: {  	v0 =	vsel vm2, $0xFFF80000, v0;
	v2 =	vand.u32 $0xFFFFFC00, v1  }
0x3a: {  	v1 =	vand.u32 $0x380, v1;
	v0 =	vadd.s32 v0, v2  }
0x3b: {  	v0 =	vor.u32 v1, v0  }
0x3c: {  	v0 =	vshrl.u32 v0, $0x3;
	_ =	sdelay $0x3  }
0x3d: {  	s13 =	sadd.s32 $0x800, s13  }
0x3e: {  	[tilespmem:s13], [sflag:$0x1] =	stream.indirect_vreg.gather [hbm:s2], $0x80, v0, vm0, $0x38;
	[tilespmem:$0x10200] =	vst v63  }
0x3f: {  	s13 =	sadd.s32 $0x400, s13  }
0x40: {  	[tilespmem:s13], [sflag:$0x1] =	stream.indirect_vreg.gather [hbm:s2], $0x80, v0, vm1, $0x38;
	[tilespmem:$0x10200] =	vst v63  }
0x41: {  	s12 =	sshll.u32 s12, $0x4;
	s14 =	simm.s32 $0x80;
	_ =	swait.ge [sflag:s4], $0x8000  }
0x42: {  	s15 =	simm.s32 $0x8600;
	s12 =	sadd.s32 s12, s7;
	[sflag:s4] =	ssyncset.done $0x0  }
0x43: {  	s16 =	sadd.s32 $0x0, s12;
	s13 =	simm.s32 $0x8200;
	[sflag:s4] =	ssyncadd.s32 $0xFFFF8000  }
.LBB2_7:
0x44: {  	[hbm:s16] =	stream.linear.scatter [tilespmem:s13], [sflag:$0x3], $0x400, $0x38;
	[tilespmem:$0x10200] =	vst v63  }
0x45: {  	s16 =	smov.u32 s14;
	s13 =	smov.u32 s15;
	p0 =	sne.s32 s14, $0xF80  }
.Ltmp5:
0x46: {  	s14 =	sadd.s32 $0x80, s14;
	(pc) =	sbr.rel @p0 .LBB2_7-.Ltmp5, $2  }
0x47: {  	_ =	sdelay $0x2  }
0x48: {  	s15 =	sadd.s32 $0x400, s15;
	s16 =	sadd.s32 s16, s12  }
.Ltmp6:
0x49: {  	(pc) =	sbr.rel .LBB2_9-.Ltmp6, $2  }
0x4a: {  	_ =	sdelay $0x2  }
0x4b: {  	[hbm:s16] =	stream.linear.scatter [tilespmem:s13], [sflag:$0x3], $0x400, $0x38;
	[tilespmem:$0x10200] =	vst v63  }
.LBB2_2:
.Ltmp7:
0x4c: {  	(pc) =	sbr.rel .LBB2_10-.Ltmp7, $4  }
0x4d: {  	_ = 	snop  }
0x4e: {  	s12 =	sshrl.u32 s11, $0x3  }
0x4f: {  	s13 =	sand.u32 $0x7, s11;
	s12 =	sadd.s32 s3, s12  }
0x50: {  	[tilespmem:s9], [sflag:$0x2] =	stream.linear.gather [hbm4b:s12+s13], $0x100, $0x38;
	[tilespmem:$0x10200] =	vst v63  }
.LBB2_11:
0x51: {  	s2 =	simm.s32 $0x3  }
0x52: {  	_ =	swait.ge [sflag:s2], $0x8000  }
0x53: {  	[sflag:s2] =	ssyncset.done $0x0  }
0x54: {  	[sflag:s2] =	ssyncadd.s32 $0xFFFF8000  }
0x55: {  	_ =	sfence.sel $0x180000  }
0x56: {  	s3 =	simm.s32 $0x2;
	[bflag:$0x0] =	sbarrier.arrive $0xFFFF  }
0x57: {  	[sflag:s3] =	ssyncpa.u1 $0x1  }
0x58: {  	s31 =	simm.s32 $0x1;
	[sflag:s2] =	ssyncpa.u1 $0x1  }
0x59: {  	[sflag:s31] =	ssyncpa.u1 $0x1  }
0x5a: {  	p0 =	sne.s32 s1, $0x0;
	_ =	strace $0x90000047  }
0x5b: {  	s0 =	sadd.s32 @!p0 $0x100000, s0;
	[bflag:$0x2] =	sbarrier.arrive $0xFFFF  }
0x5c: {  	[sflag:s0] =	ssyncadd.tile.s32 @!p0 $0x1;
	_ =	shalt  }
.Lfunc_end2:
_tile_overlayer_lowered:
.L_overlay_start_2:
0x5d: {  	(tag) =	ssettag $0x2  }
0x5e: {  	s0 =	rddreg [dreg:$0x0];
	s2 =	stileid.u32  }
0x5f: {  	s1 =	rddreg [dreg:$0x1];
	p0 =	sne.s32 s2, $0x0  }
0x60: {  	s3 =	rddreg [dreg:$0x2];
	[bflag:$0x3] =	sbarrier.arrive $0xFFFF;
	s2 =	simm.s32 @!p0 $0x1C01  }
0x61: {  	[timem:s3], [sflag:s2] =	dma.local @!p0 [hbm:s0], s1  }
0x62: {  	s0 =	simm.s32 @!p0 $0x1  }
0x63: {  	_ =	swait.ge @!p0 [sflag:s0], s1  }
0x64: {  	s1 =	ssub.s32 @!p0 $0x0, s1;
	[sflag:s0] =	ssyncset.done @!p0 $0x0  }
0x65: {  	[sflag:s0] =	ssyncadd.s32 @!p0 s1  }
0x66: {  	[bflag:$0x3] =	sbarrier.arrive $0xFFFF  }
0x67: {  	_ =	shalt  }

// kernel: sparse-core-data-format-call.1.cloned.1.call-start
scs
called_computation.1_lowered:
.L_overlay_start_0:
0x0: {  	s2 =	sld [smem:$0x3FD9]  }
0x1: {  	s3 =	sld [smem:$0x3FFE];
	_ =	sdelay $0x1  }
0x2: {  	s1 =	srdreg.scid  }
0x3: {  	s0 =	sand.u32 $0x1, s1  }
0x4: {  	s18 =	sshll.u32 s0, $0xA;
	s2 =	sadd.s32 s3, s2  }
0x5: {  	s2 =	sadd.s32 s2, s18  }
0x6: {  	[smem:$0x3F8F] =	sst s2  }
0x7: {  	_ = 	snop  }
0x8: {  	(tm) =	ssettm $0x1  }
0x9: {  	s19 =	sld [smem:$0x3FFB];
	_ =	sdelay $0x3  }
0xa: {  	_ =	strace s19  }
0xb: {  	s2 =	sld [smem:$0x3FFC];
	_ =	sdelay $0x3  }
0xc: {  	_ =	strace s2  }
0xd: {  	s2 =	sld [smem:$0x3FFD];
	_ =	sdelay $0x3  }
0xe: {  	_ =	strace s2  }
0xf: {  	_ =	strace $0x8FFFFFFF  }
0x10: {  	s20 =	sld [smem:$0x3FDB];
	_ =	sdelay $0x1  }
0x11: {  	s21 =	simm.s32 $_scs_section_size  }
0x12: {  	s4 =	simm.s32 $_size__tile_overlayer_lowered;
	s5 =	simm.s32 $_tile_overlayer_lowered  }
0x13: {  	s6 =	simm.s32 $0x1BFF;
	s22 =	sshll.u32 s5, $0x1;
	s3 =	sadd.s32 s21, s20  }
0x14: {  	s23 =	simm.s32 $0x0;
	s4 =	sshll.u32 s4, $0x1;
	s5 =	sadd.s32 s22, s3  }
0x15: {  	[timem:s23], [sflag:s6] =	dma.local [hbm:s5], s4  }
0x16: {  	_ =	swait.ge [sflag:s6], s4  }
0x17: {  	s4 =	ssub.s32 $0x0, s4;
	[sflag:s6] =	ssyncset.done $0x0  }
0x18: {  	[sflag:s6] =	ssyncadd.s32 s4;
	_ =	sdelay $0x1  }
0x19: {  	s24 =	simm.s32 $0x1B8B  }
0x1a: {  	_ =	swait.ge [sflag:s24], $0x1  }
0x1b: {  	[sflag:s24] =	ssyncset.done $0x0  }
0x1c: {  	[sflag:s24] =	ssyncadd.s32 $0xFFFFFFFF  }
0x1d: {  	s4 =	sld [smem:$0x0]  }
0x1e: {  	s5 =	sand.u32 $0xFFFFFFFE, s1  }
0x1f: {  	p0 =	sne.s32 s1, s5  }
0x20: {  	s5 =	sshll.u32 @p0 s5, $0xE  }
0x21: {  	s5 =	sadd.s32 @p0 $0x11B8D, s5;
	s6 =	sshll.u32 @p0 s4, $0x11  }
0x22: {  	s5 =	sor.u32 @p0 s6, s5  }
0x23: {  	[sflag:s5] =	ssyncadd.remote.s32 @p0 $0x1;
	_ =	sdelay $0x1  }
0x24: {  	s5 =	simm.s32 @p0 $0x1B8D  }
0x25: {  	_ =	swait.eq @p0 [sflag:s5], $0x1  }
0x26: {  	[sflag:s5] =	ssyncadd.s32 @p0 $0xFFFFFFFF  }
0x27: {  	s6 =	sshll.u32 @!p0 s1, $0xE  }
0x28: {  	s6 =	sor.u32 @!p0 $0x4000, s6;
	s5 =	simm.s32 @!p0 $0x1B8D  }
0x29: {  	s4 =	sshll.u32 @!p0 s4, $0x11;
	s6 =	sadd.s32 @!p0 $0x11B8D, s6;
	_ =	swait.eq @!p0 [sflag:s5], $0x1  }
0x2a: {  	s4 =	sor.u32 @!p0 s4, s6;
	[sflag:s5] =	ssyncadd.s32 @!p0 $0xFFFFFFFF  }
0x2b: {  	s26 =	simm.s32 $0x1B8E;
	s25 =	sld [smem:$0x3FFE];
	[sflag:s4] =	ssyncadd.remote.s32 @!p0 $0x1  }
0x2c: {  	s27 =	simm.s32 $execute0_lowered;
	[smem:$0x3FD2] =	sst s26  }
0x2d: {  	s5 =	sshll.u32 s27, $0x1;
	_ =	strace $0x8000004F;
	[dreg:$0x1] =	wrdreg $0xFFFFFFFF  }
0x2e: {  	s28 =	simm.s32 $_size_execute0_lowered;
	s3 =	sadd.s32 s3, s5;
	[dreg:$0x0] =	wrdreg $0x0  }
0x2f: {  	s5 =	sshll.u32 s28, $0x1;
	[dreg:$0x2] =	wrdreg s3  }
0x30: {  	[dreg:$0x3] =	wrdreg s5  }
0x31: {  	[dreg:$0x4] =	wrdreg $0xC0  }
0x32: {  	_ =	task [dreg:s23], $0x5FFFF  }
0x33: {  	[dreg:$0x1] =	wrdreg $0xFFFFFFFF  }
0x34: {  	[dreg:$0x0] =	wrdreg $0x60  }
0x35: {  	[dreg:$0x2] =	wrdreg s25  }
0x36: {  	[dreg:$0x3] =	wrdreg $0x9  }
0x37: {  	_ =	task.clear_ibuf [dreg:s23], $0x4FFFF;
	_ =	strace $0x9000004F  }
0x38: {  	s29 =	simm.s32 $0x9;
	_ =	strace $0x80000051  }
0x39: {  	_ =	swait.ge [sflag:s29], $0x1  }
0x3a: {  	[sflag:s29] =	ssyncadd.s32 $0xFFFFFFFF  }
0x3b: {  	_ =	strace $0x90000051  }
0x3c: {  	_ =	sfence  }
0x3d: {  	s30 =	sld [smem:$0x0];
	_ =	sdelay $0x2  }
0x3e: {  	s31 =	sshll.u32 s1, $0xD;
	s1 =	sshrl.u32 s1, $0x2  }
0x3f: {  	s4 =	sand.u32 $0x4000, s31;
	s1 =	sadd.s32 s1, s30  }
0x40: {  	s0 =	sor.u32 s4, s0;
	s1 =	sshll.u32 s1, $0x11  }
0x41: {  	s0 =	sor.u32 s1, s0  }
0x42: {  	s0 =	sadd.s32 $0x8F2B, s0  }
0x43: {  	[sflag:s0] =	ssyncadd.remote.s32 $0x1  }
0x44: {  	_ =	sfence.sel $0xFFFF  }
0x45: {  	[dreg:$0x0] =	wrdreg $0xFFFFFFFF;
	(pc) =	sbr.abs _section_cstart, $3  }
0x46: {  	[dreg:$0x1] =	wrdreg $0xFFFFFFFF  }
0x47: {  	_ =	task.clear_ibuf [dreg:s23], $0x2FFFF;
	_ =	strace $0x9FFFFFFF  }
0x48: {  	(tm) =	ssettm $0x7FFFFFFF  }
0x49: {  	_ =	shalt  }
tec
execute0_lowered:
.L_overlay_start_1:
0x0: {  	(tag) =	ssettag $0x1  }
0x1: {  	s0 =	srdreg.scid;
	s3 =	rddreg [dreg:$0x0];
	s5 =	simm.s32 $0x1  }
0x2: {  	s7 =	simm.s32 $0x2;
	s15 =	simm.s32 $0x0;
	p0 =	por $0x0, $0x0  }
0x3: {  	s8 =	simm.s32 $0x8000;
	s13 =	simm.s32 $0x0;
	s1 =	sshll.u32 s0, $0x7  }
0x4: {  	s14 =	simm.s32 $0x0;
	s9 =	simm.s32 $0x0;
	s1 =	sand.u32 $0x80, s1  }
0x5: {  	s0 =	rddreg [dreg:$0x1];
	_ =	strace $0x80000050;
	s6 =	ssub.s32 $0x1000, s1  }
.Ltmp0:
0x6: {  	s2 =	sadd.s32 $0x929200, s3;
	s31 =	sshrl.u32 s6, $0x7;
	(pc) =	sbr.rel .LBB1_1-.Ltmp0, $4  }
0x7: {  	s4 =	sadd.s32 $0xD29200, s3;
	s6 =	sshrl.u32 s6, $0x8;
	s3 =	sand.u32 $0x1, s31  }
0x8: {  	s11 =	stileid.u32;
	[sflag:s5] =	ssyncpa.u1 $0x0;
	s6 =	sadd.s32 s6, s3  }
0x9: {  	s12 =	simm.s32 $0x0;
	[sflag:s7] =	ssyncpa.u1 $0x0;
	s6 =	sshll.u32 s6, $0x2  }
0xa: {  	s10 =	smov.u32 s1;
	s3 =	stileid.u32;
	s7 =	sor.u32 $0x1, s6  }
.LBB1_4:
0xb: {  	v5 =	vld [tilespmem:s18+$0xFFFFFFD0]  }
0xc: {  	[tilespmem:s19+$0x2040 ss:$0x81] =	vst.msk $0xffff, v1;
	v58 =	vld [tilespmem:s18+$0xFFFFFFE0]  }
0xd: {  	[tilespmem:s19+$0x2850 ss:$0x81] =	vst.msk $0xffff, v2;
	v59 =	vld [tilespmem:s18+$0xFFFFFFF0]  }
0xe: {  	s20 =	sshra.s32 s20, $0x2;
	[tilespmem:s19+$0x3060 ss:$0x81] =	vst.msk $0xffff, v3;
	v60 =	vld [tilespmem:s18+$0x0]  }
0xf: {  	[tilespmem:s19+$0x0 ss:$0x81] =	vst.msk $0xffff, v0;
	v61 =	vld [tilespmem:s18+$0x10];
	s17 =	sadd.s32 s20, s17  }
0x10: {  	s26 =	sshll.u32 s15, $0xC;
	v62 =	vld [tilespmem:s18+$0x20];
	[tilespmem:s17+$0x3870 ss:$0x81] =	vst.msk $0xffff, v4  }
0x11: {  	s27 =	sand.u32 $0x78, s13;
	s21 =	sshll.u32 s13, $0x3;
	v63 =	vld [tilespmem:s18+$0xFFFFFFC0];
	s29 =	sshll.u32 s15, $0x7;
	[tilespmem:s17+$0x810 ss:$0x81] =	vst.msk $0xffff, v5  }
0x12: {  	s14 =	sshll.u32 s14, $0x12;
	s19 =	sand.u32 $0x1F8000, s26;
	s28 =	sand.u32 $0x1FFC00, s21;
	[tilespmem:s17+$0x1020 ss:$0x81] =	vst.msk $0xffff, v58  }
0x13: {  	s31 =	sand.u32 $0x7, s13;
	s21 =	sand.u32 $0xC00, s21;
	s18 =	sadd.s32 s28, s19;
	[tilespmem:s17+$0x1830 ss:$0x81] =	vst.msk $0xffff, v59  }
0x14: {  	s15 =	sand.u32 $0x380, s29;
	s30 =	sor.u32 s27, s21;
	s18 =	sshrl.u32 s18, $0x3;
	[tilespmem:s17+$0x2040 ss:$0x81] =	vst.msk $0xffff, v60  }
0x15: {  	s14 =	sadd.s32 s4, s14;
	s15 =	sor.u32 s15, s30;
	s18 =	sand.u32 $0x3FE00, s18;
	[tilespmem:s17+$0x2850 ss:$0x81] =	vst.msk $0xffff, v61  }
0x16: {  	s13 =	sshll.u32 s31, $0x12;
	s15 =	sshrl.u32 s15, $0x3;
	[tilespmem:s17+$0x3060 ss:$0x81] =	vst.msk $0xffff, v62;
	s14 =	sadd.s32 s18, s14  }
0x17: {  	s13 =	sor.u32 $0x400, s13;
	[tilespmem:s17+$0x0 ss:$0x81] =	vst.msk $0xffff, v63;
	s14 =	sadd.s32 s15, s14  }
0x18: {  	[hbm4b:s14+s13] =	stream.strided.scatter [tilespmem:s16], [sflag:$0x2], $0x4000, s8, s13, $0x20;
	[tilespmem:$0x10100] =	vst v63  }
.LBB1_5:
0x19: {  	s16 =	sadd.s32 $0x80, s9  }
0x1a: {  	s13 =	sadd.s32 $0x100, s10;
	s17 =	smov.u32 s10;
	p2 =	sgt.s32 s16, $0x1FF  }
0x1b: {  	s17 =	smov.u32 @p2 s13  }
0x1c: {  	s19 =	smov.u32 s11;
	s13 =	sadd.s32 $0x10, s11;
	p3 =	sgt.s32 s17, $0xFFF  }
0x1d: {  	s19 =	smov.u32 @p3 s13  }
0x1e: {  	s16 =	simm.s32 @p2 $0x0;
	p2 =	sgt.s32 s19, $0xF  }
0x1f: {  	p1 =	slt.u32 s12, $0x2;
	s19 =	smov.u32 @p2 s3;
	p2 =	sne.s32 s12, s7  }
.Ltmp1:
0x20: {  	s18 =	simm.s32 @!p1 $0x2;
	(pc) =	sbr.rel @!p2 .LBB1_6-.Ltmp1, $4  }
0x21: {  	s15 =	smov.u32 s9;
	s14 =	smov.u32 s11;
	_ =	swait.ge @!p1 [sflag:s18], $0x4000  }
0x22: {  	p0 =	por !p0, !p0;
	[sflag:s18] =	ssyncset.done @!p1 $0x0;
	s9 =	smov.u32 s16  }
0x23: {  	s17 =	smov.u32 @p3 s1;
	s13 =	smov.u32 s10;
	[sflag:s18] =	ssyncadd.s32 @!p1 $0xFFFFC000  }
0x24: {  	s10 =	smov.u32 s17;
	s12 =	sadd.s32 $0x1, s12;
	s11 =	smov.u32 s19  }
.LBB1_1:
0x25: {  	p1 =	sge.u32 s12, s6  }
0x26: {  	s31 =	sadd.s32 $0xFFFFFFFF, s12;
	s16 =	sxor.u32 @!p1 $0xFFFFFFFF, s12  }
0x27: {  	s17 =	sshll.u32 @!p1 s10, $0x9;
	s18 =	sshll.u32 @!p1 s9, $0x3;
	s19 =	sshll.u32 @!p1 s10, $0x7  }
0x28: {  	s20 =	sand.u32 @!p1 $0x78, s9;
	s17 =	sand.u32 @!p1 $0x1FF000, s17;
	s18 =	sand.u32 @!p1 $0x1FFC00, s18  }
0x29: {  	s16 =	sshll.u32 @!p1 s16, $0xE;
	s17 =	sadd.s32 @!p1 s17, s18;
	s18 =	sand.u32 @!p1 $0x200, s19  }
0x2a: {  	s16 =	sand.u32 @!p1 $0x4000, s16;
	s17 =	sor.u32 @!p1 s18, s17;
	s18 =	sand.u32 @!p1 $0x180, s19  }
0x2b: {  	s19 =	sshll.u32 @!p1 s11, $0x12;
	s18 =	sor.u32 @!p1 s20, s18;
	s17 =	sshrl.u32 @!p1 s17, $0x3  }
0x2c: {  	s19 =	sadd.s32 @!p1 s2, s19;
	s20 =	sand.u32 @!p1 $0x7, s9;
	s18 =	sshrl.u32 @!p1 s18, $0x3  }
0x2d: {  	s17 =	sand.u32 @!p1 $0x3FFC0, s17;
	s18 =	sadd.s32 @!p1 s18, s19;
	s19 =	sshll.u32 @!p1 s20, $0x12  }
0x2e: {  	s17 =	sadd.s32 @!p1 s17, s18;
	s18 =	sor.u32 @!p1 $0x400, s19;
	s19 =	simm.s32 @!p1 $0x1000  }
0x2f: {  	[tilespmem:s16], [sflag:$0x1] =	stream.strided.gather @!p1 [hbm4b:s17+s18], $0x4000, s19, s18, $0x38;
	[tilespmem:$0x10100] =	vst v63  }
0x30: {  	p1 =	sge.u32 s31, s6  }
.Ltmp2:
0x31: {  	_ = 	snop;
	(pc) =	sbr.rel @p1 .LBB1_5-.Ltmp2, $1  }
0x32: {  	_ =	sdelay $0x3  }
0x33: {  	s16 =	simm.s32 $0x1  }
0x34: {  	_ =	swait.ge [sflag:s5], $0x4000;
	s16 =	simm.s32 @!p0 $0x0  }
0x35: {  	[sflag:s5] =	ssyncset.done $0x0;
	s17 =	sshll.u32 s16, $0xE  }
0x36: {  	[sflag:s5] =	ssyncadd.s32 $0xFFFFC000;
	s18 =	sor.u32 $0x40, s17  }
0x37: {  	s16 =	smul.u32 $0x10200, s16;
	v0 =	vld [tilespmem:s18+$0x30]  }
0x38: {  	v3 =	vld [tilespmem:s18+$0xFFFFFFD0]  }
0x39: {  	s16 =	sshrl.u32 s16, $0x2;
	v4 =	vld [tilespmem:s18+$0xFFFFFFE0]  }
0x3a: {  	v5 =	vld [tilespmem:s18+$0xFFFFFFF0];
	s17 =	sor.u32 $0x8000, s16  }
0x3b: {  	s31 =	sand.u32 $0x1, s12;
	v1 =	vld [tilespmem:s18+$0x0];
	s19 =	sadd.s32 $0x0, s17  }
0x3c: {  	v2 =	vld [tilespmem:s18+$0x10];
	s16 =	smul.u32 $0x10200, s31;
	[tilespmem:s19+$0x3870 ss:$0x81] =	vst.msk $0xffff, v0  }
0x3d: {  	[tilespmem:s19+$0x810 ss:$0x81] =	vst.msk $0xffff, v3;
	v3 =	vld [tilespmem:s18+$0x20]  }
0x3e: {  	s16 =	sshrl.u32 s16, $0x2;
	v0 =	vld [tilespmem:s18+$0xFFFFFFC0];
	[tilespmem:s19+$0x1020 ss:$0x81] =	vst.msk $0xffff, v4;
	s18 =	sadd.s32 $0x80, s18  }
0x3f: {  	s20 =	simm.s32 $0x4;
	s21 =	simm.s32 $0x8;
	s16 =	sor.u32 $0x8000, s16;
	[tilespmem:s19+$0x1830 ss:$0x81] =	vst.msk $0xffff, v5;
	v4 =	vld [tilespmem:s18+$0x30]  }
.LBB1_3:
0x40: {  	p1 =	sne.s32 s21, $0x1FC;
	v5 =	vld [tilespmem:s18+$0xFFFFFFD0];
	[tilespmem:s19+$0x2040 ss:$0x81] =	vst.msk $0xffff, v1  }
0x41: {  	v6 =	vld [tilespmem:s18+$0xFFFFFFE0];
	[tilespmem:s19+$0x2850 ss:$0x81] =	vst.msk $0xffff, v2  }
0x42: {  	s22 =	sshra.s32 s20, $0x2;
	s20 =	smov.u32 s21;
	v7 =	vld [tilespmem:s18+$0xFFFFFFF0];
	[tilespmem:s19+$0x3060 ss:$0x81] =	vst.msk $0xffff, v3  }
.Ltmp3:
0x43: {  	v1 =	vld [tilespmem:s18+$0x0];
	[tilespmem:s19+$0x0 ss:$0x81] =	vst.msk $0xffff, v0;
	s19 =	sadd.s32 s22, s17;
	(pc) =	sbr.rel @p1 .LBB1_3-.Ltmp3, $4  }
0x44: {  	v2 =	vld [tilespmem:s18+$0x10];
	[tilespmem:s19+$0x3870 ss:$0x81] =	vst.msk $0xffff, v4  }
0x45: {  	[tilespmem:s19+$0x810 ss:$0x81] =	vst.msk $0xffff, v5;
	v3 =	vld [tilespmem:s18+$0x20]  }
0x46: {  	v0 =	vld [tilespmem:s18+$0xFFFFFFC0];
	[tilespmem:s19+$0x1020 ss:$0x81] =	vst.msk $0xffff, v6;
	s18 =	sadd.s32 $0x80, s18  }
0x47: {  	s21 =	sadd.s32 $0x4, s21;
	v4 =	vld [tilespmem:s18+$0x30];
	[tilespmem:s19+$0x1830 ss:$0x81] =	vst.msk $0xffff, v7  }
.Ltmp4:
0x48: {  	_ = 	snop;
	(pc) =	sbr.rel .LBB1_4-.Ltmp4, $1  }
0x49: {  	_ =	sdelay $0x3  }
.LBB1_6:
0x4a: {  	_ =	sfence.sel $0x180000  }
0x4b: {  	s1 =	simm.s32 $0x1;
	[bflag:$0x0] =	sbarrier.arrive $0xFFFF  }
0x4c: {  	s31 =	simm.s32 $0x2;
	[sflag:s1] =	ssyncpa.u1 $0x1  }
0x4d: {  	[sflag:s31] =	ssyncpa.u1 $0x1  }
0x4e: {  	p0 =	sne.s32 s3, $0x0;
	_ =	strace $0x90000050  }
0x4f: {  	s0 =	sadd.s32 @!p0 $0x100000, s0;
	[bflag:$0x2] =	sbarrier.arrive $0xFFFF  }
0x50: {  	[sflag:s0] =	ssyncadd.tile.s32 @!p0 $0x1;
	_ =	shalt  }
.Lfunc_end1:
_tile_overlayer_lowered:
.L_overlay_start_2:
0x51: {  	(tag) =	ssettag $0x2  }
0x52: {  	s0 =	rddreg [dreg:$0x0];
	s2 =	stileid.u32  }
0x53: {  	s1 =	rddreg [dreg:$0x1];
	p0 =	sne.s32 s2, $0x0  }
0x54: {  	s3 =	rddreg [dreg:$0x2];
	[bflag:$0x3] =	sbarrier.arrive $0xFFFF;
	s2 =	simm.s32 @!p0 $0x1C01  }
0x55: {  	[timem:s3], [sflag:s2] =	dma.local @!p0 [hbm:s0], s1  }
0x56: {  	s0 =	simm.s32 @!p0 $0x1  }
0x57: {  	_ =	swait.ge @!p0 [sflag:s0], s1  }
0x58: {  	s1 =	ssub.s32 @!p0 $0x0, s1;
	[sflag:s0] =	ssyncset.done @!p0 $0x0  }
0x59: {  	[sflag:s0] =	ssyncadd.s32 @!p0 s1  }
0x5a: {  	[bflag:$0x3] =	sbarrier.arrive $0xFFFF  }
0x5b: {  	_ =	shalt  }

// kernel: sparse-core-data-format-call.2.cloned.1.call-start
scs
called_computation.2_lowered:
.L_overlay_start_0:
0x0: {  	s2 =	sld [smem:$0x3FD9]  }
0x1: {  	s3 =	sld [smem:$0x3FFE];
	_ =	sdelay $0x1  }
0x2: {  	s1 =	srdreg.scid  }
0x3: {  	s0 =	sand.u32 $0x1, s1  }
0x4: {  	s16 =	sshll.u32 s0, $0xA;
	s2 =	sadd.s32 s3, s2  }
0x5: {  	s2 =	sadd.s32 s2, s16  }
0x6: {  	[smem:$0x3F8F] =	sst s2  }
0x7: {  	_ = 	snop  }
0x8: {  	s2 =	sld [smem:$0x3FD0];
	_ =	sdelay $0x2  }
0x9: {  	s17 =	simm.s32 $0xC;
	s4 =	simm.s32 $0x10  }
0xa: {  	[smem:s4], [sflag:s17] =	dma.local [hbm:s2], $0x1  }
0xb: {  	_ =	swait.eq [sflag:s17], $0x1  }
0xc: {  	[sflag:s17] =	ssyncset.done $0x0  }
0xd: {  	[sflag:s17] =	ssyncadd.s32 $0xFFFFFFFF  }
0xe: {  	s18 =	sld [smem:$0x10];
	(tm) =	ssettm $0x1  }
0xf: {  	s19 =	sld [smem:$0x3FFB];
	_ =	sdelay $0x3  }
0x10: {  	_ =	strace s19  }
0x11: {  	s2 =	sld [smem:$0x3FFC];
	_ =	sdelay $0x3  }
0x12: {  	_ =	strace s2  }
0x13: {  	s2 =	sld [smem:$0x3FFD];
	_ =	sdelay $0x3  }
0x14: {  	_ =	strace s2  }
0x15: {  	_ =	strace $0x8FFFFFFF  }
0x16: {  	s20 =	sld [smem:$0x3FDB];
	_ =	sdelay $0x1  }
0x17: {  	s21 =	simm.s32 $_scs_section_size  }
0x18: {  	s5 =	simm.s32 $_size__tile_overlayer_lowered;
	s6 =	simm.s32 $_tile_overlayer_lowered  }
0x19: {  	s7 =	simm.s32 $0x1BFF;
	s22 =	sshll.u32 s6, $0x1;
	s4 =	sadd.s32 s21, s20  }
0x1a: {  	s23 =	simm.s32 $0x0;
	s5 =	sshll.u32 s5, $0x1;
	s6 =	sadd.s32 s22, s4  }
0x1b: {  	[timem:s23], [sflag:s7] =	dma.local [hbm:s6], s5  }
0x1c: {  	_ =	swait.ge [sflag:s7], s5  }
0x1d: {  	s5 =	ssub.s32 $0x0, s5;
	[sflag:s7] =	ssyncset.done $0x0  }
0x1e: {  	[sflag:s7] =	ssyncadd.s32 s5;
	_ =	sdelay $0x1  }
0x1f: {  	s24 =	simm.s32 $0x1B8B  }
0x20: {  	_ =	swait.ge [sflag:s24], $0x1  }
0x21: {  	[sflag:s24] =	ssyncset.done $0x0  }
0x22: {  	[sflag:s24] =	ssyncadd.s32 $0xFFFFFFFF  }
0x23: {  	s5 =	sld [smem:$0x0]  }
0x24: {  	s6 =	sand.u32 $0xFFFFFFFE, s1  }
0x25: {  	p0 =	sne.s32 s1, s6  }
0x26: {  	s6 =	sshll.u32 @p0 s6, $0xE  }
0x27: {  	s6 =	sadd.s32 @p0 $0x11B8D, s6;
	s7 =	sshll.u32 @p0 s5, $0x11  }
0x28: {  	s6 =	sor.u32 @p0 s7, s6  }
0x29: {  	[sflag:s6] =	ssyncadd.remote.s32 @p0 $0x1;
	_ =	sdelay $0x1  }
0x2a: {  	s6 =	simm.s32 @p0 $0x1B8D  }
0x2b: {  	_ =	swait.eq @p0 [sflag:s6], $0x1  }
0x2c: {  	[sflag:s6] =	ssyncadd.s32 @p0 $0xFFFFFFFF  }
0x2d: {  	s7 =	sshll.u32 @!p0 s1, $0xE  }
0x2e: {  	s7 =	sor.u32 @!p0 $0x4000, s7;
	s6 =	simm.s32 @!p0 $0x1B8D  }
0x2f: {  	s5 =	sshll.u32 @!p0 s5, $0x11;
	s7 =	sadd.s32 @!p0 $0x11B8D, s7;
	_ =	swait.eq @!p0 [sflag:s6], $0x1  }
0x30: {  	s5 =	sor.u32 @!p0 s5, s7;
	[sflag:s6] =	ssyncadd.s32 @!p0 $0xFFFFFFFF  }
0x31: {  	s26 =	simm.s32 $0x1B8E;
	s25 =	sld [smem:$0x3FFE];
	[sflag:s5] =	ssyncadd.remote.s32 @!p0 $0x1  }
0x32: {  	s27 =	simm.s32 $execute0_lowered;
	[smem:$0x3FD2] =	sst s26  }
0x33: {  	s6 =	sshll.u32 s27, $0x1;
	_ =	strace $0x80000052;
	[dreg:$0x1] =	wrdreg $0xFFFFFFFF  }
0x34: {  	s28 =	simm.s32 $_size_execute0_lowered;
	s4 =	sadd.s32 s4, s6;
	[dreg:$0x0] =	wrdreg $0x0  }
0x35: {  	s6 =	sshll.u32 s28, $0x1;
	[dreg:$0x2] =	wrdreg s4  }
0x36: {  	[dreg:$0x3] =	wrdreg s6  }
0x37: {  	[dreg:$0x4] =	wrdreg $0xC0  }
0x38: {  	_ =	task [dreg:s23], $0x5FFFF  }
0x39: {  	[dreg:$0x1] =	wrdreg $0xFFFFFFFF  }
0x3a: {  	[dreg:$0x0] =	wrdreg $0x60  }
0x3b: {  	[dreg:$0x2] =	wrdreg s18  }
0x3c: {  	[dreg:$0x3] =	wrdreg s25  }
0x3d: {  	[dreg:$0x4] =	wrdreg $0xA  }
0x3e: {  	_ =	task.clear_ibuf [dreg:s23], $0x5FFFF;
	_ =	strace $0x90000052  }
0x3f: {  	s29 =	simm.s32 $0xA;
	_ =	strace $0x80000054  }
0x40: {  	_ =	swait.ge [sflag:s29], $0x1  }
0x41: {  	[sflag:s29] =	ssyncadd.s32 $0xFFFFFFFF  }
0x42: {  	_ =	strace $0x90000054  }
0x43: {  	_ =	sfence  }
0x44: {  	s30 =	sld [smem:$0x0];
	_ =	sdelay $0x2  }
0x45: {  	s31 =	sshll.u32 s1, $0xD;
	s1 =	sshrl.u32 s1, $0x2  }
0x46: {  	s4 =	sand.u32 $0x4000, s31;
	s1 =	sadd.s32 s1, s30  }
0x47: {  	s0 =	sor.u32 s4, s0;
	s1 =	sshll.u32 s1, $0x11  }
0x48: {  	s0 =	sor.u32 s1, s0  }
0x49: {  	s0 =	sadd.s32 $0x8F2B, s0  }
0x4a: {  	[sflag:s0] =	ssyncadd.remote.s32 $0x1  }
0x4b: {  	_ =	sfence.sel $0xFFFF  }
0x4c: {  	[dreg:$0x0] =	wrdreg $0xFFFFFFFF;
	(pc) =	sbr.abs _section_cstart, $3  }
0x4d: {  	[dreg:$0x1] =	wrdreg $0xFFFFFFFF  }
0x4e: {  	_ =	task.clear_ibuf [dreg:s23], $0x2FFFF;
	_ =	strace $0x9FFFFFFF  }
0x4f: {  	(tm) =	ssettm $0x7FFFFFFF  }
tec
execute0_lowered:
.L_overlay_start_1:
0x0: {  	(tag) =	ssettag $0x1  }
0x1: {  	s1 =	rddreg [dreg:$0x0]  }
0x2: {  	s0 =	srdreg.scid;
	s2 =	rddreg [dreg:$0x1];
	s5 =	simm.s32 $0x1  }
0x3: {  	s8 =	simm.s32 $0x2;
	s17 =	simm.s32 $0x0;
	p0 =	por $0x0, $0x0  }
0x4: {  	s15 =	simm.s32 $0x0;
	s14 =	simm.s32 $0x0;
	s16 =	simm.s32 $0x0  }
0x5: {  	s9 =	simm.s32 $0x0;
	s11 =	simm.s32 $0x0;
	s3 =	sshll.u32 s0, $0x1  }
0x6: {  	s12 =	stileid.u32;
	s13 =	simm.s32 $0x0;
	s3 =	sand.u32 $0x2, s3  }
.Ltmp0:
0x7: {  	s0 =	rddreg [dreg:$0x2];
	s6 =	ssub.s32 $0x40, s3;
	(pc) =	sbr.rel .LBB1_1-.Ltmp0, $4  }
0x8: {  	_ =	strace $0x80000053;
	s4 =	sadd.s32 $0x128000, s2;
	s7 =	sshrl.u32 s6, $0x1  }
0x9: {  	[sflag:s5] =	ssyncpa.u1 $0x0;
	s6 =	sand.u32 $0x2, s6;
	s7 =	sand.u32 $0x3E, s7  }
0xa: {  	s2 =	stileid.u32;
	[sflag:s8] =	ssyncpa.u1 $0x0;
	s6 =	sadd.s32 s6, s7  }
0xb: {  	s8 =	simm.s32 $0x4000;
	s10 =	smov.u32 s3;
	s7 =	sor.u32 $0x1, s6  }
.LBB1_4:
0xc: {  	v11 =	vld [tilespmem:s21+$0xFFFFFFE0];
	v12 =	vcombine.low v6, v7  }
0xd: {  	v3 =	vperm.xlane.i2c.b16 v3;
	[tilespmem:s22+$0x3870 ss:$0x81] =	vst.msk $0xffff, v9;
	v46 =	vld [tilespmem:s21+$0xFFFFFFF0];
	v4 =	vperm.xlane.i2c.b16 v4  }
0xe: {  	v47 =	vcombine.high v6, v7;
	[tilespmem:s20+$0x2040 ss:$0x81] =	vst.msk $0xffff, v10;
	v48 =	vld [tilespmem:s21+$0x0];
	v5 =	vperm.xlane.i2c.b16 v5  }
0xf: {  	v50 =	vld [tilespmem:s21+$0x10];
	v2 =	vperm.xlane.i2c.b16 v2;
	[tilespmem:s22+$0x810 ss:$0x81] =	vst.msk $0xffff, v12;
	v49 =	vcombine.low v8, v3  }
0x10: {  	v52 =	vld [tilespmem:s21+$0xFFFFFFC0];
	v1 =	vperm.xlane.i2c.b16 v1;
	v51 =	vcombine.low v4, v0;
	[tilespmem:s22+$0x2850 ss:$0x81] =	vst.msk $0xffff, v47  }
0x11: {  	s24 =	sshra.s32 s23, $0x2;
	v3 =	vcombine.high v8, v3;
	v53 =	vcombine.low v2, v5;
	[tilespmem:s22+$0x1020 ss:$0x81] =	vst.msk $0xffff, v49  }
0x12: {  	s19 =	sadd.s32 s24, s19;
	v2 =	vcombine.high v2, v5;
	v56 =	vcombine.high v4, v0;
	[tilespmem:s22+$0x0 ss:$0x81] =	vst.msk $0xffff, v51  }
0x13: {  	[tilespmem:s19+$0x1830 ss:$0x81] =	vst.msk $0xffff, v53;
	v11 =	vperm.xlane.i2c.b16 v11;
	v54 =	vperm.xlane.i2c.b16 v46  }
0x14: {  	[tilespmem:s22+$0x3060 ss:$0x81] =	vst.msk $0xffff, v3;
	v55 =	vperm.xlane.i2c.b16 v48;
	v58 =	vperm.xlane.i2c.b16 v50  }
0x15: {  	s17 =	sshll.u32 s17, $0x7;
	s25 =	sshll.u32 s14, $0x3;
	s27 =	sshll.u32 s14, $0x1;
	[tilespmem:s19+$0x3870 ss:$0x81] =	vst.msk $0xffff, v2;
	v60 =	vperm.xlane.i2c.b16 v52;
	v57 =	vcombine.low v11, v54  }
0x16: {  	s16 =	sshll.u32 s16, $0x11;
	s26 =	sand.u32 $0x7C00, s17;
	s20 =	sand.u32 $0x7C00, s25;
	[tilespmem:s22+$0x2040 ss:$0x81] =	vst.msk $0xffff, v56;
	v61 =	vcombine.low v55, v58  }
0x17: {  	s15 =	sshll.u32 s15, $0xB;
	s17 =	sand.u32 $0x300, s17;
	s20 =	sadd.s32 s20, s26;
	v63 =	vcombine.low v60, v1;
	[tilespmem:s19+$0x810 ss:$0x81] =	vst.msk $0xffff, v57  }
0x18: {  	s29 =	sshrl.u32 s14, $0x3;
	s28 =	sand.u32 $0x80, s27;
	s17 =	sor.u32 s17, s20;
	v59 =	vcombine.high v11, v54;
	[tilespmem:s19+$0x1020 ss:$0x81] =	vst.msk $0xffff, v61  }
0x19: {  	s30 =	sand.u32 $0x7, s14;
	s16 =	sadd.s32 s4, s16;
	s17 =	sor.u32 s28, s17;
	v62 =	vcombine.high v55, v58;
	[tilespmem:s19+$0x0 ss:$0x81] =	vst.msk $0xffff, v63  }
0x1a: {  	s15 =	sadd.s32 s15, s16;
	s20 =	sand.u32 $0x7, s29;
	s17 =	sshrl.u32 s17, $0x4;
	v0 =	vcombine.high v60, v1;
	[tilespmem:s19+$0x2850 ss:$0x81] =	vst.msk $0xffff, v59  }
0x1b: {  	s14 =	sshll.u32 s30, $0x12;
	s15 =	sadd.s32 s20, s15;
	s31 =	sand.u32 $0x7F8, s17;
	[tilespmem:s19+$0x3060 ss:$0x81] =	vst.msk $0xffff, v62  }
0x1c: {  	s14 =	sor.u32 $0x2000, s14;
	s15 =	sadd.s32 s31, s15;
	[tilespmem:s19+$0x2040 ss:$0x81] =	vst.msk $0xffff, v0  }
0x1d: {  	[hbm4b:s15+s14] =	stream.strided.scatter [tilespmem:s18], [sflag:$0x2], $0x4000, s8, s14, $0x20;
	[tilespmem:$0x10100] =	vst v63  }
.LBB1_5:
0x1e: {  	s18 =	sadd.s32 $0x80, s9  }
0x1f: {  	s14 =	sadd.s32 $0x4, s10;
	s19 =	smov.u32 s10;
	p2 =	sgt.s32 s18, $0xFF  }
0x20: {  	s19 =	smov.u32 @p2 s14  }
0x21: {  	s20 =	smov.u32 s11;
	s14 =	sadd.s32 $0x80, s11;
	p3 =	sgt.s32 s19, $0x3F  }
0x22: {  	s20 =	smov.u32 @p3 s14  }
0x23: {  	s21 =	smov.u32 s12;
	s14 =	sadd.s32 $0x10, s12;
	p4 =	sgt.s32 s20, $0x7F  }
0x24: {  	p1 =	slt.u32 s13, $0x2;
	s21 =	smov.u32 @p4 s14  }
0x25: {  	s17 =	smov.u32 s9;
	s18 =	simm.s32 @p2 $0x0;
	p2 =	sgt.s32 s21, $0xF  }
0x26: {  	s22 =	simm.s32 @!p1 $0x2;
	s21 =	smov.u32 @p2 s2;
	p2 =	sne.s32 s13, s7  }
.Ltmp1:
0x27: {  	s15 =	smov.u32 s10;
	_ =	swait.ge @!p1 [sflag:s22], $0x4000;
	(pc) =	sbr.rel @!p2 .LBB1_6-.Ltmp1, $4  }
0x28: {  	s16 =	smov.u32 s12;
	p0 =	por !p0, !p0;
	[sflag:s22] =	ssyncset.done @!p1 $0x0  }
0x29: {  	s9 =	smov.u32 s18;
	s19 =	smov.u32 @p3 s3;
	[sflag:s22] =	ssyncadd.s32 @!p1 $0xFFFFC000  }
0x2a: {  	s10 =	smov.u32 s19;
	s20 =	simm.s32 @p4 $0x0;
	s14 =	smov.u32 s11  }
0x2b: {  	s11 =	smov.u32 s20;
	s13 =	sadd.s32 $0x1, s13;
	s12 =	smov.u32 s21  }
.LBB1_1:
0x2c: {  	p1 =	sge.u32 s13, s6  }
0x2d: {  	s18 =	sshll.u32 @!p1 s10, $0x8;
	s19 =	sshll.u32 @!p1 s9, $0x3  }
0x2e: {  	s20 =	sshll.u32 @!p1 s10, $0x7;
	s18 =	sand.u32 @!p1 $0x3800, s18;
	s19 =	sand.u32 @!p1 $0x3C00, s19  }
0x2f: {  	s31 =	sadd.s32 $0xFFFFFFFF, s13;
	s18 =	sadd.s32 @!p1 s18, s19;
	s19 =	sand.u32 @!p1 $0x300, s20  }
0x30: {  	s22 =	sshrl.u32 @!p1 s9, $0x3;
	s18 =	sor.u32 @!p1 s19, s18;
	s19 =	sshll.u32 @!p1 s12, $0x11  }
0x31: {  	s21 =	sshll.u32 @!p1 s11, $0xA;
	s22 =	sand.u32 @!p1 $0xF, s22;
	s19 =	sadd.s32 @!p1 s1, s19  }
0x32: {  	s20 =	sxor.u32 @!p1 $0xFFFFFFFF, s13;
	s18 =	sshrl.u32 @!p1 s18, $0x4;
	s19 =	sadd.s32 @!p1 s21, s19  }
0x33: {  	s18 =	sand.u32 @!p1 $0x3F0, s18;
	s21 =	sand.u32 @!p1 $0x7, s9;
	s19 =	sadd.s32 @!p1 s22, s19  }
0x34: {  	s18 =	sadd.s32 @!p1 s18, s19;
	s19 =	sshll.u32 @!p1 s20, $0xE;
	s20 =	sshll.u32 @!p1 s21, $0x12  }
0x35: {  	s21 =	simm.s32 @!p1 $0x2000;
	s19 =	sand.u32 @!p1 $0x4000, s19;
	s20 =	sor.u32 @!p1 $0x80, s20  }
0x36: {  	[tilespmem:s19], [sflag:$0x1] =	stream.strided.gather @!p1 [hbm4b:s18+s20], $0x4000, s21, s20, $0x38;
	[tilespmem:$0x10100] =	vst v63  }
0x37: {  	p1 =	sge.u32 s31, s6  }
.Ltmp2:
0x38: {  	_ = 	snop;
	(pc) =	sbr.rel @p1 .LBB1_5-.Ltmp2, $1  }
0x39: {  	_ =	sdelay $0x3  }
0x3a: {  	s18 =	simm.s32 $0x1  }
0x3b: {  	_ =	swait.ge [sflag:s5], $0x4000;
	s18 =	simm.s32 @!p0 $0x0  }
0x3c: {  	[sflag:s5] =	ssyncset.done $0x0;
	s19 =	sshll.u32 s18, $0xE  }
0x3d: {  	[sflag:s5] =	ssyncadd.s32 $0xFFFFC000;
	s19 =	sor.u32 $0x40, s19  }
0x3e: {  	v0 =	vld [tilespmem:s19+$0x20]  }
0x3f: {  	v1 =	vld [tilespmem:s19+$0x30]  }
0x40: {  	v2 =	vld [tilespmem:s19+$0xFFFFFFD0]  }
0x41: {  	v3 =	vld [tilespmem:s19+$0xFFFFFFE0]  }
0x42: {  	v4 =	vld [tilespmem:s19+$0xFFFFFFF0]  }
0x43: {  	v5 =	vld [tilespmem:s19+$0x0]  }
0x44: {  	v6 =	vld [tilespmem:s19+$0x10];
	_ =	sdelay $0x1  }
0x45: {  	s18 =	smul.u32 $0x10200, s18;
	v1 =	vperm.xlane.i2c.b16 v1;
	v0 =	vperm.xlane.i2c.b16 v0  }
0x46: {  	v7 =	vld [tilespmem:s19+$0xFFFFFFC0];
	s21 =	sadd.s32 $0x80, s19;
	v10 =	vperm.xlane.i2c.b16 v2;
	v3 =	vperm.xlane.i2c.b16 v3  }
0x47: {  	s18 =	sshrl.u32 s18, $0x2;
	v9 =	vld [tilespmem:s21+$0x30];
	v4 =	vperm.xlane.i2c.b16 v4;
	v5 =	vperm.xlane.i2c.b16 v5  }
0x48: {  	s19 =	sor.u32 $0x8000, s18;
	v2 =	vld [tilespmem:s21+$0x20];
	v6 =	vperm.xlane.i2c.b16 v6;
	v8 =	vcombine.low v0, v1  }
0x49: {  	s20 =	sadd.s32 $0x0, s19;
	v0 =	vcombine.high v0, v1;
	v1 =	vld [tilespmem:s21+$0xFFFFFFD0];
	v11 =	vcombine.low v3, v4  }
0x4a: {  	v12 =	vld [tilespmem:s21+$0xFFFFFFF0];
	[tilespmem:s20+$0x1830 ss:$0x81] =	vst.msk $0xffff, v8  }
0x4b: {  	v13 =	vperm.xlane.i2c.b16 v7;
	v7 =	vcombine.low v5, v6;
	v8 =	vld [tilespmem:s21+$0xFFFFFFE0];
	[tilespmem:s20+$0x810 ss:$0x81] =	vst.msk $0xffff, v11  }
0x4c: {  	v14 =	vld [tilespmem:s21+$0x0];
	v9 =	vperm.xlane.i2c.b16 v9;
	[tilespmem:s20+$0x3870 ss:$0x81] =	vst.msk $0xffff, v0;
	v0 =	vcombine.high v3, v4  }
0x4d: {  	s31 =	sand.u32 $0x1, s13;
	v5 =	vcombine.high v5, v6;
	[tilespmem:s20+$0x1020 ss:$0x81] =	vst.msk $0xffff, v7;
	v3 =	vld [tilespmem:s21+$0x10];
	v11 =	vperm.xlane.i2c.b16 v2  }
0x4e: {  	s18 =	smul.u32 $0x10200, s31;
	v4 =	vld [tilespmem:s21+$0xFFFFFFC0];
	s21 =	sadd.s32 $0x80, s21;
	[tilespmem:s20+$0x2850 ss:$0x81] =	vst.msk $0xffff, v0;
	v0 =	vperm.xlane.i2c.b16 v1;
	v1 =	vcombine.low v13, v10  }
0x4f: {  	v7 =	vperm.xlane.i2c.b16 v12;
	[tilespmem:s20+$0x3060 ss:$0x81] =	vst.msk $0xffff, v5;
	v2 =	vld [tilespmem:s21+$0x20];
	v15 =	vcombine.low v11, v9  }
0x50: {  	s22 =	sadd.s32 $0x1, s19;
	s18 =	sshrl.u32 s18, $0x2;
	v5 =	vld [tilespmem:s21+$0x30];
	v9 =	vcombine.high v11, v9;
	v6 =	vperm.xlane.i2c.b16 v8;
	[tilespmem:s20+$0x0 ss:$0x81] =	vst.msk $0xffff, v1  }
0x51: {  	s23 =	simm.s32 $0x8;
	s24 =	simm.s32 $0xC;
	s18 =	sor.u32 $0x8000, s18;
	v10 =	vcombine.high v13, v10;
	v1 =	vld [tilespmem:s21+$0xFFFFFFD0];
	v8 =	vperm.xlane.i2c.b16 v14;
	[tilespmem:s22+$0x1830 ss:$0x81] =	vst.msk $0xffff, v15  }
.LBB1_3:
0x52: {  	p1 =	sne.s32 s24, $0x1FC;
	v11 =	vld [tilespmem:s21+$0xFFFFFFE0];
	v12 =	vcombine.low v6, v7;
	v3 =	vperm.xlane.i2c.b16 v3;
	[tilespmem:s22+$0x3870 ss:$0x81] =	vst.msk $0xffff, v9  }
0x53: {  	v13 =	vperm.xlane.i2c.b16 v4;
	v4 =	vcombine.high v6, v7;
	v9 =	vld [tilespmem:s21+$0xFFFFFFF0];
	[tilespmem:s20+$0x2040 ss:$0x81] =	vst.msk $0xffff, v10;
	s20 =	smov.u32 s22  }
0x54: {  	v10 =	vld [tilespmem:s21+$0x0];
	[tilespmem:s20+$0x810 ss:$0x81] =	vst.msk $0xffff, v12;
	v6 =	vcombine.low v8, v3;
	v7 =	vcombine.high v8, v3  }
.Ltmp3:
0x55: {  	v8 =	vperm.xlane.i2c.b16 v5;
	v12 =	vperm.xlane.i2c.b16 v2;
	v3 =	vld [tilespmem:s21+$0x10];
	[tilespmem:s20+$0x2850 ss:$0x81] =	vst.msk $0xffff, v4;
	(pc) =	sbr.rel @p1 .LBB1_3-.Ltmp3, $4  }
0x56: {  	v14 =	vperm.xlane.i2c.b16 v1;
	v1 =	vcombine.low v13, v0;
	v4 =	vld [tilespmem:s21+$0xFFFFFFC0];
	s21 =	sadd.s32 $0x80, s21;
	[tilespmem:s20+$0x1020 ss:$0x81] =	vst.msk $0xffff, v6  }
0x57: {  	s22 =	sshra.s32 s23, $0x2;
	s23 =	smov.u32 s24;
	v2 =	vld [tilespmem:s21+$0x20];
	v6 =	vperm.xlane.i2c.b16 v11;
	v11 =	vcombine.low v12, v8;
	[tilespmem:s20+$0x3060 ss:$0x81] =	vst.msk $0xffff, v7  }
0x58: {  	s22 =	sadd.s32 s22, s19;
	v5 =	vld [tilespmem:s21+$0x30];
	v7 =	vperm.xlane.i2c.b16 v9;
	v9 =	vcombine.high v12, v8;
	[tilespmem:s20+$0x0 ss:$0x81] =	vst.msk $0xffff, v1  }
0x59: {  	s24 =	sadd.s32 $0x4, s24;
	v1 =	vld [tilespmem:s21+$0xFFFFFFD0];
	v8 =	vperm.xlane.i2c.b16 v10;
	[tilespmem:s22+$0x1830 ss:$0x81] =	vst.msk $0xffff, v11;
	v10 =	vcombine.high v13, v0;
	v0 =	vmov v14  }
.Ltmp4:
0x5a: {  	_ = 	snop;
	(pc) =	sbr.rel .LBB1_4-.Ltmp4, $1  }
0x5b: {  	_ =	sdelay $0x3  }
.LBB1_6:
0x5c: {  	_ =	sfence.sel $0x180000  }
0x5d: {  	s1 =	simm.s32 $0x1;
	[bflag:$0x0] =	sbarrier.arrive $0xFFFF  }
0x5e: {  	s31 =	simm.s32 $0x2;
	[sflag:s1] =	ssyncpa.u1 $0x1  }
0x5f: {  	[sflag:s31] =	ssyncpa.u1 $0x1  }
0x60: {  	p0 =	sne.s32 s2, $0x0;
	_ =	strace $0x90000053  }
0x61: {  	s0 =	sadd.s32 @!p0 $0x100000, s0;
	[bflag:$0x2] =	sbarrier.arrive $0xFFFF  }
0x62: {  	[sflag:s0] =	ssyncadd.tile.s32 @!p0 $0x1;
	_ =	shalt  }
.Lfunc_end1:
_tile_overlayer_lowered:
.L_overlay_start_2:
0x63: {  	(tag) =	ssettag $0x2  }
0x64: {  	s0 =	rddreg [dreg:$0x0];
	s2 =	stileid.u32  }
0x65: {  	s1 =	rddreg [dreg:$0x1];
	p0 =	sne.s32 s2, $0x0  }
0x66: {  	s3 =	rddreg [dreg:$0x2];
	[bflag:$0x3] =	sbarrier.arrive $0xFFFF;
	s2 =	simm.s32 @!p0 $0x1C01  }
0x67: {  	[timem:s3], [sflag:s2] =	dma.local @!p0 [hbm:s0], s1  }
0x68: {  	s0 =	simm.s32 @!p0 $0x1  }
0x69: {  	_ =	swait.ge @!p0 [sflag:s0], s1  }
0x6a: {  	s1 =	ssub.s32 @!p0 $0x0, s1;
	[sflag:s0] =	ssyncset.done @!p0 $0x0  }
0x6b: {  	[sflag:s0] =	ssyncadd.s32 @!p0 s1  }
0x6c: {  	[bflag:$0x3] =	sbarrier.arrive $0xFFFF  }
0x6d: {  	_ =	shalt  }

// kernel: sparse-core-data-format-call.3.cloned.1.call-start
scs
called_computation.3_lowered:
.L_overlay_start_0:
0x0: {  	s2 =	sld [smem:$0x3FD9]  }
0x1: {  	s3 =	sld [smem:$0x3FFE];
	_ =	sdelay $0x1  }
0x2: {  	s1 =	srdreg.scid  }
0x3: {  	s0 =	sand.u32 $0x1, s1  }
0x4: {  	s18 =	sshll.u32 s0, $0xA;
	s2 =	sadd.s32 s3, s2  }
0x5: {  	s2 =	sadd.s32 s2, s18  }
0x6: {  	[smem:$0x3F8F] =	sst s2  }
0x7: {  	_ = 	snop  }
0x8: {  	(tm) =	ssettm $0x1  }
0x9: {  	s19 =	sld [smem:$0x3FFB];
	_ =	sdelay $0x3  }
0xa: {  	_ =	strace s19  }
0xb: {  	s2 =	sld [smem:$0x3FFC];
	_ =	sdelay $0x3  }
0xc: {  	_ =	strace s2  }
0xd: {  	s2 =	sld [smem:$0x3FFD];
	_ =	sdelay $0x3  }
0xe: {  	_ =	strace s2  }
0xf: {  	_ =	strace $0x8FFFFFFF  }
0x10: {  	s20 =	sld [smem:$0x3FDB];
	_ =	sdelay $0x1  }
0x11: {  	s21 =	simm.s32 $_scs_section_size  }
0x12: {  	s4 =	simm.s32 $_size__tile_overlayer_lowered;
	s5 =	simm.s32 $_tile_overlayer_lowered  }
0x13: {  	s6 =	simm.s32 $0x1BFF;
	s22 =	sshll.u32 s5, $0x1;
	s3 =	sadd.s32 s21, s20  }
0x14: {  	s23 =	simm.s32 $0x0;
	s4 =	sshll.u32 s4, $0x1;
	s5 =	sadd.s32 s22, s3  }
0x15: {  	[timem:s23], [sflag:s6] =	dma.local [hbm:s5], s4  }
0x16: {  	_ =	swait.ge [sflag:s6], s4  }
0x17: {  	s4 =	ssub.s32 $0x0, s4;
	[sflag:s6] =	ssyncset.done $0x0  }
0x18: {  	[sflag:s6] =	ssyncadd.s32 s4;
	_ =	sdelay $0x1  }
0x19: {  	s24 =	simm.s32 $0x1B8B  }
0x1a: {  	_ =	swait.ge [sflag:s24], $0x1  }
0x1b: {  	[sflag:s24] =	ssyncset.done $0x0  }
0x1c: {  	[sflag:s24] =	ssyncadd.s32 $0xFFFFFFFF  }
0x1d: {  	s4 =	sld [smem:$0x0]  }
0x1e: {  	s5 =	sand.u32 $0xFFFFFFFE, s1  }
0x1f: {  	p0 =	sne.s32 s1, s5  }
0x20: {  	s5 =	sshll.u32 @p0 s5, $0xE  }
0x21: {  	s5 =	sadd.s32 @p0 $0x11B8D, s5;
	s6 =	sshll.u32 @p0 s4, $0x11  }
0x22: {  	s5 =	sor.u32 @p0 s6, s5  }
0x23: {  	[sflag:s5] =	ssyncadd.remote.s32 @p0 $0x1;
	_ =	sdelay $0x1  }
0x24: {  	s5 =	simm.s32 @p0 $0x1B8D  }
0x25: {  	_ =	swait.eq @p0 [sflag:s5], $0x1  }
0x26: {  	[sflag:s5] =	ssyncadd.s32 @p0 $0xFFFFFFFF  }
0x27: {  	s6 =	sshll.u32 @!p0 s1, $0xE  }
0x28: {  	s6 =	sor.u32 @!p0 $0x4000, s6;
	s5 =	simm.s32 @!p0 $0x1B8D  }
0x29: {  	s4 =	sshll.u32 @!p0 s4, $0x11;
	s6 =	sadd.s32 @!p0 $0x11B8D, s6;
	_ =	swait.eq @!p0 [sflag:s5], $0x1  }
0x2a: {  	s4 =	sor.u32 @!p0 s4, s6;
	[sflag:s5] =	ssyncadd.s32 @!p0 $0xFFFFFFFF  }
0x2b: {  	s26 =	simm.s32 $0x1B8E;
	s25 =	sld [smem:$0x3FFE];
	[sflag:s4] =	ssyncadd.remote.s32 @!p0 $0x1  }
0x2c: {  	s27 =	simm.s32 $execute0_lowered;
	[smem:$0x3FD2] =	sst s26  }
0x2d: {  	s5 =	sshll.u32 s27, $0x1;
	_ =	strace $0x8000004C;
	[dreg:$0x1] =	wrdreg $0xFFFFFFFF  }
0x2e: {  	s28 =	simm.s32 $_size_execute0_lowered;
	s3 =	sadd.s32 s3, s5;
	[dreg:$0x0] =	wrdreg $0x0  }
0x2f: {  	s5 =	sshll.u32 s28, $0x1;
	[dreg:$0x2] =	wrdreg s3  }
0x30: {  	[dreg:$0x3] =	wrdreg s5  }
0x31: {  	[dreg:$0x4] =	wrdreg $0xC0  }
0x32: {  	_ =	task [dreg:s23], $0x5FFFF  }
0x33: {  	[dreg:$0x1] =	wrdreg $0xFFFFFFFF  }
0x34: {  	[dreg:$0x0] =	wrdreg $0x60  }
0x35: {  	[dreg:$0x2] =	wrdreg s25  }
0x36: {  	[dreg:$0x3] =	wrdreg $0xA  }
0x37: {  	_ =	task.clear_ibuf [dreg:s23], $0x4FFFF;
	_ =	strace $0x9000004C  }
0x38: {  	s29 =	simm.s32 $0xA;
	_ =	strace $0x8000004E  }
0x39: {  	_ =	swait.ge [sflag:s29], $0x1  }
0x3a: {  	[sflag:s29] =	ssyncadd.s32 $0xFFFFFFFF  }
0x3b: {  	_ =	strace $0x9000004E  }
0x3c: {  	_ =	sfence  }
0x3d: {  	s30 =	sld [smem:$0x0];
	_ =	sdelay $0x2  }
0x3e: {  	s31 =	sshll.u32 s1, $0xD;
	s1 =	sshrl.u32 s1, $0x2  }
0x3f: {  	s4 =	sand.u32 $0x4000, s31;
	s1 =	sadd.s32 s1, s30  }
0x40: {  	s0 =	sor.u32 s4, s0;
	s1 =	sshll.u32 s1, $0x11  }
0x41: {  	s0 =	sor.u32 s1, s0  }
0x42: {  	s0 =	sadd.s32 $0x8F2B, s0  }
0x43: {  	[sflag:s0] =	ssyncadd.remote.s32 $0x1  }
0x44: {  	_ =	sfence.sel $0xFFFF  }
0x45: {  	[dreg:$0x0] =	wrdreg $0xFFFFFFFF;
	(pc) =	sbr.abs _section_cstart, $3  }
0x46: {  	[dreg:$0x1] =	wrdreg $0xFFFFFFFF  }
0x47: {  	_ =	task.clear_ibuf [dreg:s23], $0x2FFFF;
	_ =	strace $0x9FFFFFFF  }
0x48: {  	(tm) =	ssettm $0x7FFFFFFF  }
0x49: {  	_ =	shalt  }
tec
execute0_lowered:
.L_overlay_start_1:
0x0: {  	(tag) =	ssettag $0x1  }
0x1: {  	s0 =	srdreg.scid;
	s3 =	rddreg [dreg:$0x0];
	s5 =	simm.s32 $0x1  }
0x2: {  	s7 =	simm.s32 $0x2;
	s15 =	simm.s32 $0x0;
	p0 =	por $0x0, $0x0  }
0x3: {  	s8 =	simm.s32 $0x1000;
	s13 =	simm.s32 $0x0;
	s1 =	sshll.u32 s0, $0x7  }
0x4: {  	s14 =	simm.s32 $0x0;
	s9 =	simm.s32 $0x0;
	s1 =	sand.u32 $0x80, s1  }
0x5: {  	s0 =	rddreg [dreg:$0x1];
	_ =	strace $0x8000004D;
	s6 =	ssub.s32 $0x200, s1  }
.Ltmp0:
0x6: {  	s2 =	sadd.s32 $0x129200, s3;
	s31 =	sshrl.u32 s6, $0x7;
	(pc) =	sbr.rel .LBB1_1-.Ltmp0, $4  }
0x7: {  	s4 =	sadd.s32 $0x529200, s3;
	s6 =	sshrl.u32 s6, $0x8;
	s3 =	sand.u32 $0x1, s31  }
0x8: {  	s11 =	stileid.u32;
	[sflag:s5] =	ssyncpa.u1 $0x0;
	s6 =	sadd.s32 s6, s3  }
0x9: {  	s12 =	simm.s32 $0x0;
	[sflag:s7] =	ssyncpa.u1 $0x0;
	s6 =	sshll.u32 s6, $0x5  }
0xa: {  	s10 =	smov.u32 s1;
	s3 =	stileid.u32;
	s7 =	sor.u32 $0x1, s6  }
.LBB1_4:
0xb: {  	v5 =	vld [tilespmem:s18+$0xFFFFFFD0]  }
0xc: {  	[tilespmem:s19+$0x2040 ss:$0x81] =	vst.msk $0xffff, v1;
	v58 =	vld [tilespmem:s18+$0xFFFFFFE0]  }
0xd: {  	[tilespmem:s19+$0x2850 ss:$0x81] =	vst.msk $0xffff, v2;
	v59 =	vld [tilespmem:s18+$0xFFFFFFF0]  }
0xe: {  	s20 =	sshra.s32 s20, $0x2;
	[tilespmem:s19+$0x3060 ss:$0x81] =	vst.msk $0xffff, v3;
	v60 =	vld [tilespmem:s18+$0x0]  }
0xf: {  	[tilespmem:s19+$0x0 ss:$0x81] =	vst.msk $0xffff, v0;
	v61 =	vld [tilespmem:s18+$0x10];
	s17 =	sadd.s32 s20, s17  }
0x10: {  	s25 =	sshll.u32 s15, $0x9;
	v62 =	vld [tilespmem:s18+$0x20];
	[tilespmem:s17+$0x3870 ss:$0x81] =	vst.msk $0xffff, v4  }
0x11: {  	s26 =	sshll.u32 s13, $0x3;
	s27 =	sshll.u32 s15, $0x7;
	v63 =	vld [tilespmem:s18+$0xFFFFFFC0];
	s30 =	sand.u32 $0x78, s13;
	[tilespmem:s17+$0x810 ss:$0x81] =	vst.msk $0xffff, v5  }
0x12: {  	s14 =	sshll.u32 s14, $0x12;
	s19 =	sand.u32 $0x1FF000, s25;
	s20 =	sand.u32 $0x1FFC00, s26;
	[tilespmem:s17+$0x1020 ss:$0x81] =	vst.msk $0xffff, v58  }
0x13: {  	s29 =	sand.u32 $0x200, s27;
	s15 =	sand.u32 $0x180, s27;
	s28 =	sadd.s32 s20, s19;
	[tilespmem:s17+$0x1830 ss:$0x81] =	vst.msk $0xffff, v59  }
0x14: {  	s31 =	sand.u32 $0x7, s13;
	s15 =	sor.u32 s30, s15;
	s18 =	sor.u32 s29, s28;
	[tilespmem:s17+$0x2040 ss:$0x81] =	vst.msk $0xffff, v60  }
0x15: {  	s14 =	sadd.s32 s4, s14;
	s15 =	sshrl.u32 s15, $0x3;
	s18 =	sshrl.u32 s18, $0x3;
	[tilespmem:s17+$0x2850 ss:$0x81] =	vst.msk $0xffff, v61  }
0x16: {  	s13 =	sshll.u32 s31, $0x12;
	s14 =	sadd.s32 s15, s14;
	[tilespmem:s17+$0x3060 ss:$0x81] =	vst.msk $0xffff, v62;
	s18 =	sand.u32 $0x3FFC0, s18  }
0x17: {  	s13 =	sor.u32 $0x400, s13;
	[tilespmem:s17+$0x0 ss:$0x81] =	vst.msk $0xffff, v63;
	s14 =	sadd.s32 s18, s14  }
0x18: {  	[hbm4b:s14+s13] =	stream.strided.scatter [tilespmem:s16], [sflag:$0x2], $0x4000, s8, s13, $0x20;
	[tilespmem:$0x10100] =	vst v63  }
.LBB1_5:
0x19: {  	s16 =	sadd.s32 $0x80, s9  }
0x1a: {  	s13 =	sadd.s32 $0x100, s10;
	s17 =	smov.u32 s10;
	p2 =	sgt.s32 s16, $0xFFF  }
0x1b: {  	s17 =	smov.u32 @p2 s13  }
0x1c: {  	s19 =	smov.u32 s11;
	s13 =	sadd.s32 $0x10, s11;
	p3 =	sgt.s32 s17, $0x1FF  }
0x1d: {  	s19 =	smov.u32 @p3 s13  }
0x1e: {  	s16 =	simm.s32 @p2 $0x0;
	p2 =	sgt.s32 s19, $0xF  }
0x1f: {  	p1 =	slt.u32 s12, $0x2;
	s19 =	smov.u32 @p2 s3;
	p2 =	sne.s32 s12, s7  }
.Ltmp1:
0x20: {  	s18 =	simm.s32 @!p1 $0x2;
	(pc) =	sbr.rel @!p2 .LBB1_6-.Ltmp1, $4  }
0x21: {  	s15 =	smov.u32 s9;
	s14 =	smov.u32 s11;
	_ =	swait.ge @!p1 [sflag:s18], $0x4000  }
0x22: {  	p0 =	por !p0, !p0;
	[sflag:s18] =	ssyncset.done @!p1 $0x0;
	s9 =	smov.u32 s16  }
0x23: {  	s17 =	smov.u32 @p3 s1;
	s13 =	smov.u32 s10;
	[sflag:s18] =	ssyncadd.s32 @!p1 $0xFFFFC000  }
0x24: {  	s10 =	smov.u32 s17;
	s12 =	sadd.s32 $0x1, s12;
	s11 =	smov.u32 s19  }
.LBB1_1:
0x25: {  	p1 =	sge.u32 s12, s6;
	s31 =	sadd.s32 $0xFFFFFFFF, s12  }
0x26: {  	s16 =	sxor.u32 @!p1 $0xFFFFFFFF, s12;
	s17 =	sand.u32 @!p1 $0x78, s9;
	s18 =	sshll.u32 @!p1 s10, $0xC  }
0x27: {  	s19 =	sshll.u32 @!p1 s10, $0x7;
	s20 =	sshll.u32 @!p1 s9, $0x3;
	s16 =	sshll.u32 @!p1 s16, $0xE  }
0x28: {  	s18 =	sand.u32 @!p1 $0x1F8000, s18;
	s19 =	sand.u32 @!p1 $0x380, s19;
	s16 =	sand.u32 @!p1 $0x4000, s16  }
0x29: {  	s18 =	sadd.s32 @!p1 s18, s20;
	s20 =	sand.u32 @!p1 $0xC00, s20;
	s17 =	sor.u32 @!p1 s19, s17  }
0x2a: {  	s19 =	sshll.u32 @!p1 s11, $0x12;
	s17 =	sor.u32 @!p1 s20, s17;
	s18 =	sshrl.u32 @!p1 s18, $0x3  }
0x2b: {  	s19 =	sadd.s32 @!p1 s2, s19;
	s20 =	sand.u32 @!p1 $0x7, s9;
	s18 =	sand.u32 @!p1 $0x3FE00, s18  }
0x2c: {  	s17 =	sshrl.u32 @!p1 s17, $0x3;
	s18 =	sadd.s32 @!p1 s18, s19;
	s19 =	sshll.u32 @!p1 s20, $0x12  }
0x2d: {  	s17 =	sadd.s32 @!p1 s17, s18;
	s18 =	sor.u32 @!p1 $0x400, s19;
	s19 =	simm.s32 @!p1 $0x8000  }
0x2e: {  	[tilespmem:s16], [sflag:$0x1] =	stream.strided.gather @!p1 [hbm4b:s17+s18], $0x4000, s19, s18, $0x38;
	[tilespmem:$0x10100] =	vst v63  }
0x2f: {  	p1 =	sge.u32 s31, s6  }
.Ltmp2:
0x30: {  	_ = 	snop;
	(pc) =	sbr.rel @p1 .LBB1_5-.Ltmp2, $1  }
0x31: {  	_ =	sdelay $0x3  }
0x32: {  	s16 =	simm.s32 $0x1  }
0x33: {  	_ =	swait.ge [sflag:s5], $0x4000;
	s16 =	simm.s32 @!p0 $0x0  }
0x34: {  	[sflag:s5] =	ssyncset.done $0x0;
	s17 =	sshll.u32 s16, $0xE  }
0x35: {  	[sflag:s5] =	ssyncadd.s32 $0xFFFFC000;
	s18 =	sor.u32 $0x40, s17  }
0x36: {  	s16 =	smul.u32 $0x10200, s16;
	v0 =	vld [tilespmem:s18+$0x30]  }
0x37: {  	v3 =	vld [tilespmem:s18+$0xFFFFFFD0]  }
0x38: {  	s16 =	sshrl.u32 s16, $0x2;
	v4 =	vld [tilespmem:s18+$0xFFFFFFE0]  }
0x39: {  	v5 =	vld [tilespmem:s18+$0xFFFFFFF0];
	s17 =	sor.u32 $0x8000, s16  }
0x3a: {  	s31 =	sand.u32 $0x1, s12;
	v1 =	vld [tilespmem:s18+$0x0];
	s19 =	sadd.s32 $0x0, s17  }
0x3b: {  	v2 =	vld [tilespmem:s18+$0x10];
	s16 =	smul.u32 $0x10200, s31;
	[tilespmem:s19+$0x3870 ss:$0x81] =	vst.msk $0xffff, v0  }
0x3c: {  	[tilespmem:s19+$0x810 ss:$0x81] =	vst.msk $0xffff, v3;
	v3 =	vld [tilespmem:s18+$0x20]  }
0x3d: {  	s16 =	sshrl.u32 s16, $0x2;
	v0 =	vld [tilespmem:s18+$0xFFFFFFC0];
	[tilespmem:s19+$0x1020 ss:$0x81] =	vst.msk $0xffff, v4;
	s18 =	sadd.s32 $0x80, s18  }
0x3e: {  	s20 =	simm.s32 $0x4;
	s21 =	simm.s32 $0x8;
	s16 =	sor.u32 $0x8000, s16;
	[tilespmem:s19+$0x1830 ss:$0x81] =	vst.msk $0xffff, v5;
	v4 =	vld [tilespmem:s18+$0x30]  }
.LBB1_3:
0x3f: {  	p1 =	sne.s32 s21, $0x1FC;
	v5 =	vld [tilespmem:s18+$0xFFFFFFD0];
	[tilespmem:s19+$0x2040 ss:$0x81] =	vst.msk $0xffff, v1  }
0x40: {  	v6 =	vld [tilespmem:s18+$0xFFFFFFE0];
	[tilespmem:s19+$0x2850 ss:$0x81] =	vst.msk $0xffff, v2  }
0x41: {  	s22 =	sshra.s32 s20, $0x2;
	s20 =	smov.u32 s21;
	v7 =	vld [tilespmem:s18+$0xFFFFFFF0];
	[tilespmem:s19+$0x3060 ss:$0x81] =	vst.msk $0xffff, v3  }
.Ltmp3:
0x42: {  	v1 =	vld [tilespmem:s18+$0x0];
	[tilespmem:s19+$0x0 ss:$0x81] =	vst.msk $0xffff, v0;
	s19 =	sadd.s32 s22, s17;
	(pc) =	sbr.rel @p1 .LBB1_3-.Ltmp3, $4  }
0x43: {  	v2 =	vld [tilespmem:s18+$0x10];
	[tilespmem:s19+$0x3870 ss:$0x81] =	vst.msk $0xffff, v4  }
0x44: {  	[tilespmem:s19+$0x810 ss:$0x81] =	vst.msk $0xffff, v5;
	v3 =	vld [tilespmem:s18+$0x20]  }
0x45: {  	v0 =	vld [tilespmem:s18+$0xFFFFFFC0];
	[tilespmem:s19+$0x1020 ss:$0x81] =	vst.msk $0xffff, v6;
	s18 =	sadd.s32 $0x80, s18  }
0x46: {  	s21 =	sadd.s32 $0x4, s21;
	v4 =	vld [tilespmem:s18+$0x30];
	[tilespmem:s19+$0x1830 ss:$0x81] =	vst.msk $0xffff, v7  }
.Ltmp4:
0x47: {  	_ = 	snop;
	(pc) =	sbr.rel .LBB1_4-.Ltmp4, $1  }
0x48: {  	_ =	sdelay $0x3  }
.LBB1_6:
0x49: {  	_ =	sfence.sel $0x180000  }
0x4a: {  	s1 =	simm.s32 $0x1;
	[bflag:$0x0] =	sbarrier.arrive $0xFFFF  }
0x4b: {  	s31 =	simm.s32 $0x2;
	[sflag:s1] =	ssyncpa.u1 $0x1  }
0x4c: {  	[sflag:s31] =	ssyncpa.u1 $0x1  }
0x4d: {  	p0 =	sne.s32 s3, $0x0;
	_ =	strace $0x9000004D  }
0x4e: {  	s0 =	sadd.s32 @!p0 $0x100000, s0;
	[bflag:$0x2] =	sbarrier.arrive $0xFFFF  }
0x4f: {  	[sflag:s0] =	ssyncadd.tile.s32 @!p0 $0x1;
	_ =	shalt  }
.Lfunc_end1:
_tile_overlayer_lowered:
.L_overlay_start_2:
0x50: {  	(tag) =	ssettag $0x2  }
0x51: {  	s0 =	rddreg [dreg:$0x0];
	s2 =	stileid.u32  }
0x52: {  	s1 =	rddreg [dreg:$0x1];
	p0 =	sne.s32 s2, $0x0  }
0x53: {  	s3 =	rddreg [dreg:$0x2];
	[bflag:$0x3] =	sbarrier.arrive $0xFFFF;
	s2 =	simm.s32 @!p0 $0x1C01  }
0x54: {  	[timem:s3], [sflag:s2] =	dma.local @!p0 [hbm:s0], s1  }
0x55: {  	s0 =	simm.s32 @!p0 $0x1  }
0x56: {  	_ =	swait.ge @!p0 [sflag:s0], s1  }
0x57: {  	s1 =	ssub.s32 @!p0 $0x0, s1;
	[sflag:s0] =	ssyncset.done @!p0 $0x0  }
0x58: {  	[sflag:s0] =	ssyncadd.s32 @!p0 s1  }
0x59: {  	[bflag:$0x3] =	sbarrier.arrive $0xFFFF  }
0x5a: {  	_ =	shalt  }

// kernel: sparse-core-data-format-call.cloned.1.call-start
scs
called_computation_lowered:
.L_overlay_start_0:
0x0: {  	s2 =	sld [smem:$0x3FD9]  }
0x1: {  	s3 =	sld [smem:$0x3FFE];
	_ =	sdelay $0x1  }
0x2: {  	s1 =	srdreg.scid  }
0x3: {  	s0 =	sand.u32 $0x1, s1  }
0x4: {  	s15 =	sshll.u32 s0, $0xA;
	s2 =	sadd.s32 s3, s2  }
0x5: {  	s2 =	sadd.s32 s2, s15  }
0x6: {  	[smem:$0x3F8F] =	sst s2  }
0x7: {  	_ = 	snop  }
0x8: {  	s2 =	sld [smem:$0x3FD0];
	_ =	sdelay $0x2  }
0x9: {  	s16 =	simm.s32 $0xC;
	s4 =	simm.s32 $0x10  }
0xa: {  	[smem:s4], [sflag:s16] =	dma.local [hbm:s2], $0x1  }
0xb: {  	_ =	swait.eq [sflag:s16], $0x1  }
0xc: {  	[sflag:s16] =	ssyncset.done $0x0  }
0xd: {  	[sflag:s16] =	ssyncadd.s32 $0xFFFFFFFF  }
0xe: {  	s17 =	sld [smem:$0x10];
	(tm) =	ssettm $0x1  }
0xf: {  	s18 =	sld [smem:$0x3FFB];
	_ =	sdelay $0x3  }
0x10: {  	_ =	strace s18  }
0x11: {  	s3 =	sld [smem:$0x3FFC];
	_ =	sdelay $0x3  }
0x12: {  	_ =	strace s3  }
0x13: {  	s3 =	sld [smem:$0x3FFD];
	_ =	sdelay $0x3  }
0x14: {  	_ =	strace s3  }
0x15: {  	_ =	strace $0x8FFFFFFF  }
0x16: {  	s19 =	sld [smem:$0x3FDB];
	_ =	sdelay $0x1  }
0x17: {  	s20 =	simm.s32 $_scs_section_size  }
0x18: {  	s5 =	simm.s32 $_size__tile_overlayer_lowered;
	s6 =	simm.s32 $_tile_overlayer_lowered  }
0x19: {  	s23 =	simm.s32 $0x1BFF;
	s22 =	sshll.u32 s6, $0x1;
	s3 =	sadd.s32 s20, s19  }
0x1a: {  	s7 =	simm.s32 $0x0;
	s21 =	sshll.u32 s5, $0x1;
	s5 =	sadd.s32 s22, s3  }
0x1b: {  	[timem:s7], [sflag:s23] =	dma.local [hbm:s5], s21  }
0x1c: {  	_ =	swait.ge [sflag:s23], s21  }
0x1d: {  	s4 =	ssub.s32 $0x0, s21;
	[sflag:s23] =	ssyncset.done $0x0  }
0x1e: {  	[sflag:s23] =	ssyncadd.s32 s4;
	_ =	sdelay $0x1  }
0x1f: {  	s24 =	simm.s32 $0x1B8B  }
0x20: {  	_ =	swait.ge [sflag:s24], $0x1  }
0x21: {  	[sflag:s24] =	ssyncset.done $0x0  }
0x22: {  	s26 =	simm.s32 $0x1B8E;
	s25 =	sld [smem:$0x3FFE];
	[sflag:s24] =	ssyncadd.s32 $0xFFFFFFFF  }
0x23: {  	s27 =	simm.s32 $execute0_lowered;
	[smem:$0x3FD2] =	sst s26  }
0x24: {  	s5 =	sshll.u32 s27, $0x1;
	_ =	strace $0x80000055;
	[dreg:$0x1] =	wrdreg $0xFFFFFFFF  }
0x25: {  	s28 =	simm.s32 $_size_execute0_lowered;
	s3 =	sadd.s32 s3, s5;
	[dreg:$0x0] =	wrdreg $0x0  }
0x26: {  	s5 =	sshll.u32 s28, $0x1;
	[dreg:$0x2] =	wrdreg s3  }
0x27: {  	[dreg:$0x3] =	wrdreg s5  }
0x28: {  	[dreg:$0x4] =	wrdreg $0xC0  }
0x29: {  	_ =	task [dreg:s7], $0x5FFFF  }
0x2a: {  	[dreg:$0x1] =	wrdreg $0xFFFFFFFF  }
0x2b: {  	[dreg:$0x0] =	wrdreg $0x60  }
0x2c: {  	[dreg:$0x2] =	wrdreg s17  }
0x2d: {  	[dreg:$0x3] =	wrdreg s25  }
0x2e: {  	[dreg:$0x4] =	wrdreg $0x9  }
0x2f: {  	_ =	task.clear_ibuf [dreg:s7], $0x5FFFF;
	_ =	strace $0x90000055  }
0x30: {  	s29 =	simm.s32 $0x9;
	_ =	strace $0x80000057  }
0x31: {  	_ =	swait.ge [sflag:s29], $0x1  }
0x32: {  	[sflag:s29] =	ssyncadd.s32 $0xFFFFFFFF  }
0x33: {  	_ =	strace $0x90000057  }
0x34: {  	_ =	sfence  }
0x35: {  	s30 =	sld [smem:$0x0];
	_ =	sdelay $0x2  }
0x36: {  	s31 =	sshll.u32 s1, $0xD;
	s1 =	sshrl.u32 s1, $0x2  }
0x37: {  	s3 =	sand.u32 $0x4000, s31;
	s1 =	sadd.s32 s1, s30  }
0x38: {  	s0 =	sor.u32 s3, s0;
	s1 =	sshll.u32 s1, $0x11  }
0x39: {  	s0 =	sor.u32 s1, s0  }
0x3a: {  	s0 =	sadd.s32 $0x8F2B, s0  }
0x3b: {  	[sflag:s0] =	ssyncadd.remote.s32 $0x1  }
0x3c: {  	_ =	sfence.sel $0xFFFF  }
0x3d: {  	[dreg:$0x0] =	wrdreg $0xFFFFFFFF;
	(pc) =	sbr.abs _section_cstart, $3  }
0x3e: {  	[dreg:$0x1] =	wrdreg $0xFFFFFFFF  }
0x3f: {  	_ =	task.clear_ibuf [dreg:s7], $0x2FFFF;
	_ =	strace $0x9FFFFFFF  }
0x40: {  	(tm) =	ssettm $0x7FFFFFFF  }
0x41: {  	_ =	shalt  }
tec
execute0_lowered:
.L_overlay_start_1:
0x0: {  	(tag) =	ssettag $0x1  }
0x1: {  	s1 =	rddreg [dreg:$0x0]  }
0x2: {  	s0 =	srdreg.scid;
	s3 =	rddreg [dreg:$0x1]  }
0x3: {  	s5 =	simm.s32 $0x1;
	s7 =	simm.s32 $0x2;
	s15 =	simm.s32 $0x0  }
0x4: {  	p0 =	por $0x0, $0x0;
	s13 =	simm.s32 $0x0;
	s14 =	simm.s32 $0x0  }
0x5: {  	s9 =	simm.s32 $0x0;
	s11 =	stileid.u32;
	s0 =	sshll.u32 s0, $0x7  }
0x6: {  	s12 =	simm.s32 $0x0;
	s2 =	sand.u32 $0x80, s0;
	s0 =	rddreg [dreg:$0x2]  }
.Ltmp0:
0x7: {  	_ =	strace $0x80000056;
	s6 =	ssub.s32 $0x1000, s2;
	(pc) =	sbr.rel .LBB1_1-.Ltmp0, $4  }
0x8: {  	s4 =	sadd.s32 $0x128000, s3;
	[sflag:s5] =	ssyncpa.u1 $0x0;
	s31 =	sshrl.u32 s6, $0x7  }
0x9: {  	s10 =	smov.u32 s2;
	s6 =	sshrl.u32 s6, $0x8;
	s3 =	sand.u32 $0x1, s31  }
0xa: {  	[sflag:s7] =	ssyncpa.u1 $0x0;
	s8 =	sadd.s32 s6, s3;
	s3 =	stileid.u32  }
0xb: {  	s6 =	sshll.u32 s8, $0x1;
	s7 =	sshllo.u32 s8, $0x1;
	s8 =	simm.s32 $0x8000  }
.LBB1_4:
0xc: {  	v5 =	vld [tilespmem:s18+$0xFFFFFFD0];
	[tilespmem:s19+$0x2040 ss:$0x81] =	vst.msk $0xffff, v1  }
0xd: {  	v58 =	vld [tilespmem:s18+$0xFFFFFFE0];
	[tilespmem:s19+$0x2850 ss:$0x81] =	vst.msk $0xffff, v2  }
0xe: {  	s20 =	sshra.s32 s20, $0x2;
	v59 =	vld [tilespmem:s18+$0xFFFFFFF0];
	[tilespmem:s19+$0x3060 ss:$0x81] =	vst.msk $0xffff, v3  }
0xf: {  	v60 =	vld [tilespmem:s18+$0x0];
	[tilespmem:s19+$0x0 ss:$0x81] =	vst.msk $0xffff, v0;
	s17 =	sadd.s32 s20, s17  }
0x10: {  	v61 =	vld [tilespmem:s18+$0x10];
	s26 =	sshll.u32 s15, $0xC;
	[tilespmem:s17+$0x3870 ss:$0x81] =	vst.msk $0xffff, v4  }
0x11: {  	v62 =	vld [tilespmem:s18+$0x20];
	s27 =	sand.u32 $0x78, s13;
	s21 =	sshll.u32 s13, $0x3;
	s29 =	sshll.u32 s15, $0x7;
	[tilespmem:s17+$0x810 ss:$0x81] =	vst.msk $0xffff, v5  }
0x12: {  	v63 =	vld [tilespmem:s18+$0xFFFFFFC0];
	s14 =	sshll.u32 s14, $0x11;
	s19 =	sand.u32 $0xF8000, s26;
	s28 =	sand.u32 $0xFFC00, s21;
	[tilespmem:s17+$0x1020 ss:$0x81] =	vst.msk $0xffff, v58  }
0x13: {  	s31 =	sand.u32 $0x7, s13;
	s21 =	sand.u32 $0xC00, s21;
	s18 =	sadd.s32 s28, s19;
	[tilespmem:s17+$0x1830 ss:$0x81] =	vst.msk $0xffff, v59  }
0x14: {  	s15 =	sand.u32 $0x380, s29;
	s30 =	sor.u32 s27, s21;
	s18 =	sshrl.u32 s18, $0x3;
	[tilespmem:s17+$0x2040 ss:$0x81] =	vst.msk $0xffff, v60  }
0x15: {  	s14 =	sadd.s32 s4, s14;
	s15 =	sor.u32 s15, s30;
	s18 =	sand.u32 $0x1FE00, s18;
	[tilespmem:s17+$0x2850 ss:$0x81] =	vst.msk $0xffff, v61  }
0x16: {  	s13 =	sshll.u32 s31, $0x12;
	s15 =	sshrl.u32 s15, $0x3;
	[tilespmem:s17+$0x3060 ss:$0x81] =	vst.msk $0xffff, v62;
	s14 =	sadd.s32 s18, s14  }
0x17: {  	s13 =	sor.u32 $0x400, s13;
	[tilespmem:s17+$0x0 ss:$0x81] =	vst.msk $0xffff, v63;
	s14 =	sadd.s32 s15, s14  }
0x18: {  	[hbm4b:s14+s13] =	stream.strided.scatter [tilespmem:s16], [sflag:$0x2], $0x4000, s8, s13, $0x20;
	[tilespmem:$0x10100] =	vst v63  }
.LBB1_5:
0x19: {  	s16 =	sadd.s32 $0x80, s9  }
0x1a: {  	s13 =	sadd.s32 $0x100, s10;
	s17 =	smov.u32 s10;
	p2 =	sgt.s32 s16, $0xFF  }
0x1b: {  	s17 =	smov.u32 @p2 s13  }
0x1c: {  	s19 =	smov.u32 s11;
	s13 =	sadd.s32 $0x10, s11;
	p3 =	sgt.s32 s17, $0xFFF  }
0x1d: {  	s19 =	smov.u32 @p3 s13  }
0x1e: {  	s16 =	simm.s32 @p2 $0x0;
	p2 =	sgt.s32 s19, $0xF  }
0x1f: {  	p1 =	slt.u32 s12, $0x2;
	s19 =	smov.u32 @p2 s3;
	p2 =	sne.s32 s12, s7  }
.Ltmp1:
0x20: {  	s18 =	simm.s32 @!p1 $0x2;
	(pc) =	sbr.rel @!p2 .LBB1_6-.Ltmp1, $4  }
0x21: {  	s15 =	smov.u32 s9;
	s14 =	smov.u32 s11;
	_ =	swait.ge @!p1 [sflag:s18], $0x4000  }
0x22: {  	p0 =	por !p0, !p0;
	[sflag:s18] =	ssyncset.done @!p1 $0x0;
	s9 =	smov.u32 s16  }
0x23: {  	s17 =	smov.u32 @p3 s2;
	s13 =	smov.u32 s10;
	[sflag:s18] =	ssyncadd.s32 @!p1 $0xFFFFC000  }
0x24: {  	s10 =	smov.u32 s17;
	s12 =	sadd.s32 $0x1, s12;
	s11 =	smov.u32 s19  }
.LBB1_1:
0x25: {  	p1 =	sge.u32 s12, s6  }
0x26: {  	s31 =	sadd.s32 $0xFFFFFFFF, s12;
	s16 =	sxor.u32 @!p1 $0xFFFFFFFF, s12  }
0x27: {  	s17 =	sshll.u32 @!p1 s10, $0x8;
	s18 =	sshll.u32 @!p1 s9, $0x3;
	s19 =	sshll.u32 @!p1 s10, $0x7  }
0x28: {  	s20 =	sand.u32 @!p1 $0x78, s9;
	s17 =	sand.u32 @!p1 $0xFF800, s17;
	s18 =	sand.u32 @!p1 $0xFFC00, s18  }
0x29: {  	s16 =	sshll.u32 @!p1 s16, $0xE;
	s17 =	sadd.s32 @!p1 s17, s18;
	s18 =	sand.u32 @!p1 $0x300, s19  }
0x2a: {  	s16 =	sand.u32 @!p1 $0x4000, s16;
	s17 =	sor.u32 @!p1 s18, s17;
	s18 =	sand.u32 @!p1 $0x80, s19  }
0x2b: {  	s19 =	sshll.u32 @!p1 s11, $0x11;
	s18 =	sor.u32 @!p1 s20, s18;
	s17 =	sshrl.u32 @!p1 s17, $0x3  }
0x2c: {  	s19 =	sadd.s32 @!p1 s1, s19;
	s20 =	sand.u32 @!p1 $0x7, s9;
	s18 =	sshrl.u32 @!p1 s18, $0x3  }
0x2d: {  	s17 =	sand.u32 @!p1 $0x1FFE0, s17;
	s18 =	sadd.s32 @!p1 s18, s19;
	s19 =	sshll.u32 @!p1 s20, $0x12  }
0x2e: {  	s17 =	sadd.s32 @!p1 s17, s18;
	s18 =	sor.u32 @!p1 $0x400, s19;
	s19 =	simm.s32 @!p1 $0x800  }
0x2f: {  	[tilespmem:s16], [sflag:$0x1] =	stream.strided.gather @!p1 [hbm4b:s17+s18], $0x4000, s19, s18, $0x38;
	[tilespmem:$0x10100] =	vst v63  }
0x30: {  	p1 =	sge.u32 s31, s6  }
.Ltmp2:
0x31: {  	_ = 	snop;
	(pc) =	sbr.rel @p1 .LBB1_5-.Ltmp2, $1  }
0x32: {  	_ =	sdelay $0x3  }
0x33: {  	s16 =	simm.s32 $0x1  }
0x34: {  	_ =	swait.ge [sflag:s5], $0x4000;
	s16 =	simm.s32 @!p0 $0x0  }
0x35: {  	[sflag:s5] =	ssyncset.done $0x0;
	s17 =	sshll.u32 s16, $0xE  }
0x36: {  	[sflag:s5] =	ssyncadd.s32 $0xFFFFC000;
	s18 =	sor.u32 $0x40, s17  }
0x37: {  	s16 =	smul.u32 $0x10200, s16;
	v0 =	vld [tilespmem:s18+$0x30]  }
0x38: {  	v3 =	vld [tilespmem:s18+$0xFFFFFFD0]  }
0x39: {  	s16 =	sshrl.u32 s16, $0x2;
	v4 =	vld [tilespmem:s18+$0xFFFFFFE0]  }
0x3a: {  	v5 =	vld [tilespmem:s18+$0xFFFFFFF0];
	s17 =	sor.u32 $0x8000, s16  }
0x3b: {  	s31 =	sand.u32 $0x1, s12;
	v1 =	vld [tilespmem:s18+$0x0];
	s19 =	sadd.s32 $0x0, s17  }
0x3c: {  	v2 =	vld [tilespmem:s18+$0x10];
	s16 =	smul.u32 $0x10200, s31;
	[tilespmem:s19+$0x3870 ss:$0x81] =	vst.msk $0xffff, v0  }
0x3d: {  	[tilespmem:s19+$0x810 ss:$0x81] =	vst.msk $0xffff, v3;
	v3 =	vld [tilespmem:s18+$0x20]  }
0x3e: {  	s16 =	sshrl.u32 s16, $0x2;
	v0 =	vld [tilespmem:s18+$0xFFFFFFC0];
	[tilespmem:s19+$0x1020 ss:$0x81] =	vst.msk $0xffff, v4;
	s18 =	sadd.s32 $0x80, s18  }
0x3f: {  	s20 =	simm.s32 $0x4;
	s21 =	simm.s32 $0x8;
	s16 =	sor.u32 $0x8000, s16;
	[tilespmem:s19+$0x1830 ss:$0x81] =	vst.msk $0xffff, v5;
	v4 =	vld [tilespmem:s18+$0x30]  }
.LBB1_3:
0x40: {  	p1 =	sne.s32 s21, $0x1FC;
	v5 =	vld [tilespmem:s18+$0xFFFFFFD0];
	[tilespmem:s19+$0x2040 ss:$0x81] =	vst.msk $0xffff, v1  }
0x41: {  	v6 =	vld [tilespmem:s18+$0xFFFFFFE0];
	[tilespmem:s19+$0x2850 ss:$0x81] =	vst.msk $0xffff, v2  }
0x42: {  	s22 =	sshra.s32 s20, $0x2;
	s20 =	smov.u32 s21;
	v7 =	vld [tilespmem:s18+$0xFFFFFFF0];
	[tilespmem:s19+$0x3060 ss:$0x81] =	vst.msk $0xffff, v3  }
.Ltmp3:
0x43: {  	v1 =	vld [tilespmem:s18+$0x0];
	[tilespmem:s19+$0x0 ss:$0x81] =	vst.msk $0xffff, v0;
	s19 =	sadd.s32 s22, s17;
	(pc) =	sbr.rel @p1 .LBB1_3-.Ltmp3, $4  }
0x44: {  	v2 =	vld [tilespmem:s18+$0x10];
	[tilespmem:s19+$0x3870 ss:$0x81] =	vst.msk $0xffff, v4  }
0x45: {  	[tilespmem:s19+$0x810 ss:$0x81] =	vst.msk $0xffff, v5;
	v3 =	vld [tilespmem:s18+$0x20]  }
0x46: {  	v0 =	vld [tilespmem:s18+$0xFFFFFFC0];
	[tilespmem:s19+$0x1020 ss:$0x81] =	vst.msk $0xffff, v6;
	s18 =	sadd.s32 $0x80, s18  }
0x47: {  	s21 =	sadd.s32 $0x4, s21;
	v4 =	vld [tilespmem:s18+$0x30];
	[tilespmem:s19+$0x1830 ss:$0x81] =	vst.msk $0xffff, v7  }
.Ltmp4:
0x48: {  	_ = 	snop;
	(pc) =	sbr.rel .LBB1_4-.Ltmp4, $1  }
0x49: {  	_ =	sdelay $0x3  }
.LBB1_6:
0x4a: {  	_ =	sfence.sel $0x180000  }
0x4b: {  	s1 =	simm.s32 $0x1;
	[bflag:$0x0] =	sbarrier.arrive $0xFFFF  }
0x4c: {  	s31 =	simm.s32 $0x2;
	[sflag:s1] =	ssyncpa.u1 $0x1  }
0x4d: {  	[sflag:s31] =	ssyncpa.u1 $0x1  }
0x4e: {  	p0 =	sne.s32 s3, $0x0;
	_ =	strace $0x90000056  }
0x4f: {  	s0 =	sadd.s32 @!p0 $0x100000, s0;
	[bflag:$0x2] =	sbarrier.arrive $0xFFFF  }
0x50: {  	[sflag:s0] =	ssyncadd.tile.s32 @!p0 $0x1;
	_ =	shalt  }
.Lfunc_end1:
_tile_overlayer_lowered:
.L_overlay_start_2:
0x51: {  	(tag) =	ssettag $0x2  }
0x52: {  	s0 =	rddreg [dreg:$0x0];
	s2 =	stileid.u32  }
0x53: {  	s1 =	rddreg [dreg:$0x1];
	p0 =	sne.s32 s2, $0x0  }
0x54: {  	s3 =	rddreg [dreg:$0x2];
	[bflag:$0x3] =	sbarrier.arrive $0xFFFF;
	s2 =	simm.s32 @!p0 $0x1C01  }
0x55: {  	[timem:s3], [sflag:s2] =	dma.local @!p0 [hbm:s0], s1  }
0x56: {  	s0 =	simm.s32 @!p0 $0x1  }
0x57: {  	_ =	swait.ge @!p0 [sflag:s0], s1  }
0x58: {  	s1 =	ssub.s32 @!p0 $0x0, s1;
	[sflag:s0] =	ssyncset.done @!p0 $0x0  }
0x59: {  	[sflag:s0] =	ssyncadd.s32 @!p0 s1  }
0x5a: {  	[bflag:$0x3] =	sbarrier.arrive $0xFFFF  }
0x5b: {  	_ =	shalt  }

</sc_bundles>
